<compile_context>
chip_gen: v7x
topology: tpu7x:2x2x1
jax: 0.10.2.dev20260603
libtpu: 0.0.44.dev20260713+nightly
codegen_flags: <defaults>
</compile_context>

<pallas_src>
import functools

import jax
import jax.numpy as jnp
from jax import lax
from jax.experimental import pallas as pl
from jax.experimental.pallas import tpu as pltpu
from jax.experimental.pallas import tpu_sc as plsc

D_MODEL_K = 64
MAX_LEN_K = 13941
ROWS_PAD = 13952

NC = 2
NS = 16
NW = NC * NS


def _blur_body(t_ref, o_ref):
    x = t_ref[...]
    xm1 = jnp.concatenate([x[:1], x[:-1]], axis=0)
    xp1 = jnp.concatenate([x[1:], x[-1:]], axis=0)
    y = 0.5 * xm1 + x + 0.5 * xp1
    o_ref[...] = jnp.concatenate([y, y], axis=1)


def _blur(tpad):
    shp = jax.ShapeDtypeStruct((ROWS_PAD, 128), jnp.float32)
    return pl.pallas_call(_blur_body, out_shape=shp)(tpad)


def _make_gather(n_b, n_s):
    s_per_w = n_b // NW
    mesh = plsc.VectorSubcoreMesh(core_axis_name="c", subcore_axis_name="s")

    @functools.partial(
        pl.kernel,
        mesh=mesh,
        out_type=jax.ShapeDtypeStruct((n_b, n_s, D_MODEL_K), jnp.float32),
        scratch_types=[
            pltpu.VMEM((s_per_w * n_s,), jnp.int32),
            pltpu.VMEM((n_s, 128), jnp.float32),
            pltpu.VMEM((n_s, 128), jnp.float32),
            pltpu.VMEM((n_s, D_MODEL_K), jnp.float32),
            pltpu.VMEM((n_s, D_MODEL_K), jnp.float32),
            pltpu.SemaphoreType.DMA,
            pltpu.SemaphoreType.DMA,
            pltpu.SemaphoreType.DMA,
            pltpu.SemaphoreType.DMA,
        ],
    )
    def gather_k(
        table_hbm, idx_hbm, out_hbm, idx_v, rows0, rows1, cpt0, cpt1, g0, g1, w0, w1
    ):
        wid = lax.axis_index("s") * NC + lax.axis_index("c")
        base = wid * s_per_w
        rows = (rows0, rows1)
        cpts = (cpt0, cpt1)
        gsem = (g0, g1)
        wsem = (w0, w1)

        def start_gather(i, b):
            pltpu.async_copy(
                table_hbm.at[idx_v.at[pl.ds(i * n_s, n_s)]], rows[b], gsem[b]
            )

        def wait_gather(b):
            pltpu.make_async_copy(
                table_hbm.at[pl.ds(0, n_s)], rows[b], gsem[b]
            ).wait()

        def compact(b):
            def body(t8, carry):
                r0 = t8 * 8
                for rr in range(8):
                    for c4 in range(D_MODEL_K // 16):
                        cpts[b][r0 + rr, pl.ds(c4 * 16, 16)] = rows[b][
                            r0 + rr, pl.ds(c4 * 16, 16)
                        ]
                return carry

            lax.fori_loop(0, n_s // 8, body, 0)

        pltpu.sync_copy(idx_hbm.at[pl.ds(base * n_s, s_per_w * n_s)], idx_v)
        start_gather(0, 0)

        def slot(i, k, j):
            jn = 1 - j

            def prefetch():
                start_gather(i + 1, jn)

            if j == 0:
                prefetch()
            else:
                @pl.when(k < s_per_w // 2 - 1)
                def _():
                    prefetch()

            wait_gather(j)

            @pl.when(k >= 1)
            def _():
                pltpu.make_async_copy(
                    cpts[j], out_hbm.at[base + i - 2], wsem[j]
                ).wait()

            compact(j)
            pltpu.async_copy(cpts[j], out_hbm.at[base + i], wsem[j])

        def outer(k, carry):
            slot(2 * k, k, 0)
            slot(2 * k + 1, k, 1)
            return carry

        lax.fori_loop(0, s_per_w // 2, outer, 0)

        for j in range(2):
            pltpu.make_async_copy(
                cpts[j], out_hbm.at[base + s_per_w - 2 + j], wsem[j]
            ).wait()

    return gather_k


def kernel(pos, table):
    t = table.astype(jnp.float32)
    tpad = jnp.pad(t, ((0, ROWS_PAD - (MAX_LEN_K + 1)), (0, 0)))
    blurred = _blur(tpad)

    b, s = pos.shape
    idx = pos.astype(jnp.int32).reshape(-1)
    return _make_gather(b, s)(blurred, idx)

# --- scband reference (transcript-rebuilt; emitter-appended) ---
"""Pipeline reference for scband-pos-embedding-34875134444137 (READ-ONLY COPY).

The authoritative reference and input builder live on the scoring server;
editing this copy changes nothing except your own understanding.
"""

import jax, jax.numpy as jnp
import numpy as np

D_MODEL = 64
MAX_LEN = 13941

def setup_inputs(seed: int = 0) -> dict:
    key = jax.random.key(seed)
    k1, k2 = jax.random.split(key)
    pos = jax.random.randint(k1, (4096, 200), 0, MAX_LEN, dtype=jnp.int64 if jax.config.jax_enable_x64 else jnp.int32)
    table = jax.random.normal(k2, (MAX_LEN + 1, D_MODEL), dtype=jnp.float32)
    # padding_idx = MAX_LEN -> zero row, as in torch nn.Embedding(padding_idx=...)
    table = table.at[MAX_LEN].set(0.0)
    return {"pos": pos, "table": table}

def reference(pos, table):
    pos1 = jnp.clip(pos - 1, 0, MAX_LEN)
    pos2 = jnp.clip(pos, 0, MAX_LEN)
    pos3 = jnp.clip(pos + 1, 0, MAX_LEN)
    y = 0.5 * jnp.take(table, pos1, axis=0) + jnp.take(table, pos2, axis=0) + 0.5 * jnp.take(table, pos3, axis=0)
    return y

if __name__ == "__main__":
    import jax
    _d = setup_inputs()
    print(jax.jit(kernel)(*tuple(_d.values())))

</pallas_src>

<mosaic_0001>
#map = affine_map<(d0, d1) -> (0, 0)>
#map1 = affine_map<(d0, d1) -> (0)>
#map2 = affine_map<(d0, d1) -> (0, 0, 0)>
module attributes {stable_mosaic.version = 14 : i64} {
  func.func @gather_k(%arg0: i32, %arg1: i32, %arg2: memref<13952x128xf32, #tpu.memory_space<hbm>>, %arg3: memref<819200xi32, #tpu.memory_space<hbm>>, %arg4: memref<4096x200x64xf32, #tpu.memory_space<hbm>>, %arg5: memref<25600xi32, #tpu.memory_space<vmem>>, %arg6: memref<200x128xf32, #tpu.memory_space<vmem>>, %arg7: memref<200x128xf32, #tpu.memory_space<vmem>>, %arg8: memref<200x64xf32, #tpu.memory_space<vmem>>, %arg9: memref<200x64xf32, #tpu.memory_space<vmem>>, %arg10: memref<!tpu.dma_semaphore, #tpu.memory_space<semaphore_mem>>, %arg11: memref<!tpu.dma_semaphore, #tpu.memory_space<semaphore_mem>>, %arg12: memref<!tpu.dma_semaphore, #tpu.memory_space<semaphore_mem>>, %arg13: memref<!tpu.dma_semaphore, #tpu.memory_space<semaphore_mem>>) attributes {dimension_semantics = [#tpu.dimension_semantics<core_parallel>, #tpu.dimension_semantics<subcore_parallel>], iteration_bounds = array<i64: 2, 16>, scalar_prefetch = 0 : i64, scratch_operands = 9 : i64, tpu.core_type = #tpu.core_type<sc_vector_subcore>, window_params = [{transform_indices = #map}, {transform_indices = #map1}, {transform_indices = #map2}]} {
    %mul3A = arith.constant 2 : i32
    %mul3A_0 = arith.muli %arg1, %mul3A : i32
    %add3A = arith.addi %mul3A_0, %arg0 : i32
    %mul3A_1 = arith.constant 128 : i32
    %mul3A_2 = arith.muli %add3A, %mul3A_1 : i32
    %mul3A_3 = arith.constant 200 : i32
    %mul3A_4 = arith.muli %mul3A_2, %mul3A_3 : i32
    "tpu.region"() ({
      %run_scoped3A = tpu.sem_alloc : memref<!tpu.dma_semaphore, #tpu.memory_space<semaphore_mem>>
      %dma_start3A_40 = tpu.memref_slice %arg3[%mul3A_4] : memref<819200xi32, #tpu.memory_space<hbm>> -> memref<25600xi32, #tpu.memory_space<hbm>>
      %dma_start3A_41 = tpu.memref_slice %arg3[%mul3A_4] : memref<819200xi32, #tpu.memory_space<hbm>> -> memref<25600xi32, #tpu.memory_space<hbm>>
      tpu.enqueue_dma source(%dma_start3A_41 : memref<25600xi32, #tpu.memory_space<hbm>>) target(%arg5 : memref<25600xi32, #tpu.memory_space<vmem>>) target_semaphore(%run_scoped3A : memref<!tpu.dma_semaphore, #tpu.memory_space<semaphore_mem>>)
      %dma_wait3A_42 = tpu.memref_slice %arg3[%mul3A_4] : memref<819200xi32, #tpu.memory_space<hbm>> -> memref<25600xi32, #tpu.memory_space<hbm>>
      %dma_wait3A_43 = tpu.memref_slice %arg3[%mul3A_4] : memref<819200xi32, #tpu.memory_space<hbm>> -> memref<25600xi32, #tpu.memory_space<hbm>>
      tpu.wait_dma2 semaphore(%run_scoped3A : memref<!tpu.dma_semaphore, #tpu.memory_space<semaphore_mem>>) src(%dma_wait3A_43 : memref<25600xi32, #tpu.memory_space<hbm>>) dst(%arg5 : memref<25600xi32, #tpu.memory_space<vmem>>)
      tpu.yield
    }) : () -> ()
    %dma_start3A = arith.constant 0 : i32
    %dma_start3A_5 = tpu.memref_slice %arg5[%dma_start3A] : memref<25600xi32, #tpu.memory_space<vmem>> -> memref<200xi32, #tpu.memory_space<vmem>>
    %dma_start3A_6 = arith.constant 0 : i32
    %dma_start3A_7 = arith.constant 0 : i32
    %dma_start3A_8 = tpu.memref_slice %arg2[%dma_start3A_6, %dma_start3A_7] : memref<13952x128xf32, #tpu.memory_space<hbm>> -> memref<13952x128xf32, #tpu.memory_space<hbm>>
    tpu.enqueue_indirect_dma source(%dma_start3A_8 : memref<13952x128xf32, #tpu.memory_space<hbm>>) target(%arg6 : memref<200x128xf32, #tpu.memory_space<vmem>>) offsets(%dma_start3A_5 : memref<200xi32, #tpu.memory_space<vmem>>) semaphore(%arg10 : memref<!tpu.dma_semaphore, #tpu.memory_space<semaphore_mem>>)
    %scan3A = arith.constant 0 : i32
    %scan3A_9 = arith.constant 0 : i32
    %scan3A_10 = arith.constant 64 : i32
    %scan3A_11 = arith.addi %scan3A_9, %scan3A_10 : i32
    %scan3A_12 = arith.constant 1 : i32
    scf.for %scan3A_40 = %scan3A_9 to %scan3A_11 step %scan3A_12  : i32 {
      %mul3A_41 = arith.constant 2 : i32
      %mul3A_42 = arith.muli %mul3A_41, %scan3A_40 : i32
      %add3A_43 = arith.constant 1 : i32
      %add3A_44 = arith.addi %mul3A_42, %add3A_43 : i32
      %mul3A_45 = arith.constant 200 : i32
      %mul3A_46 = arith.muli %add3A_44, %mul3A_45 : i32
      %dma_start3A_47 = tpu.memref_slice %arg5[%mul3A_46] : memref<25600xi32, #tpu.memory_space<vmem>> -> memref<200xi32, #tpu.memory_space<vmem>>
      %dma_start3A_48 = arith.constant 0 : i32
      %dma_start3A_49 = arith.constant 0 : i32
      %dma_start3A_50 = tpu.memref_slice %arg2[%dma_start3A_48, %dma_start3A_49] : memref<13952x128xf32, #tpu.memory_space<hbm>> -> memref<13952x128xf32, #tpu.memory_space<hbm>>
      tpu.enqueue_indirect_dma source(%dma_start3A_50 : memref<13952x128xf32, #tpu.memory_space<hbm>>) target(%arg7 : memref<200x128xf32, #tpu.memory_space<vmem>>) offsets(%dma_start3A_47 : memref<200xi32, #tpu.memory_space<vmem>>) semaphore(%arg11 : memref<!tpu.dma_semaphore, #tpu.memory_space<semaphore_mem>>)
      %dma_wait3A_51 = arith.constant 0 : i32
      %dma_wait3A_52 = arith.constant 0 : i32
      %dma_wait3A_53 = tpu.memref_slice %arg2[%dma_wait3A_51, %dma_wait3A_52] : memref<13952x128xf32, #tpu.memory_space<hbm>> -> memref<200x128xf32, #tpu.memory_space<hbm>>
      %dma_wait3A_54 = arith.constant 0 : i32
      %dma_wait3A_55 = arith.constant 0 : i32
      %dma_wait3A_56 = tpu.memref_slice %arg2[%dma_wait3A_54, %dma_wait3A_55] : memref<13952x128xf32, #tpu.memory_space<hbm>> -> memref<200x128xf32, #tpu.memory_space<hbm>>
      tpu.wait_dma2 semaphore(%arg10 : memref<!tpu.dma_semaphore, #tpu.memory_space<semaphore_mem>>) src(%dma_wait3A_56 : memref<200x128xf32, #tpu.memory_space<hbm>>) dst(%arg6 : memref<200x128xf32, #tpu.memory_space<vmem>>)
      %ge3A = arith.constant 1 : i32
      %ge3A_57 = arith.cmpi sge, %scan3A_40, %ge3A : i32
      %convert_element_type3A = arith.extui %ge3A_57 : i1 to i32
      %cond3A = arith.constant 0 : i32
      %cond3A_58 = arith.cmpi ne, %convert_element_type3A, %cond3A : i32
      scf.if %cond3A_58 {
        %add3A_108 = arith.addi %mul3A_2, %mul3A_42 : i32
        %sub3A_109 = arith.constant 2 : i32
        %sub3A_110 = arith.subi %add3A_108, %sub3A_109 : i32
        %dma_wait3A_111 = arith.constant 0 : i32
        %dma_wait3A_112 = arith.constant 0 : i32
        %dma_wait3A_113 = tpu.memref_slice %arg4[%sub3A_110, %dma_wait3A_111, %dma_wait3A_112] : memref<4096x200x64xf32, #tpu.memory_space<hbm>> -> memref<1x200x64xf32, #tpu.memory_space<hbm>>
        %dma_wait3A_114 = tpu.memref_squeeze %dma_wait3A_113 : memref<1x200x64xf32, #tpu.memory_space<hbm>> -> memref<200x64xf32, #tpu.memory_space<hbm>>
        %dma_wait3A_115 = arith.constant 0 : i32
        %dma_wait3A_116 = arith.constant 0 : i32
        %dma_wait3A_117 = tpu.memref_slice %arg4[%sub3A_110, %dma_wait3A_115, %dma_wait3A_116] : memref<4096x200x64xf32, #tpu.memory_space<hbm>> -> memref<1x200x64xf32, #tpu.memory_space<hbm>>
        %dma_wait3A_118 = tpu.memref_squeeze %dma_wait3A_117 : memref<1x200x64xf32, #tpu.memory_space<hbm>> -> memref<200x64xf32, #tpu.memory_space<hbm>>
        tpu.wait_dma2 semaphore(%arg12 : memref<!tpu.dma_semaphore, #tpu.memory_space<semaphore_mem>>) src(%arg8 : memref<200x64xf32, #tpu.memory_space<vmem>>) dst(%dma_wait3A_118 : memref<200x64xf32, #tpu.memory_space<hbm>>)
      } else {
      }
      %scan3A_59 = arith.constant 0 : i32
      %scan3A_60 = arith.constant 0 : i32
      %scan3A_61 = arith.constant 25 : i32
      %scan3A_62 = arith.addi %scan3A_60, %scan3A_61 : i32
      %scan3A_63 = arith.constant 1 : i32
      scf.for %scan3A_108 = %scan3A_60 to %scan3A_62 step %scan3A_63  : i32 {
        %mul3A_109 = arith.constant 8 : i32
        %mul3A_110 = arith.muli %scan3A_108, %mul3A_109 : i32
        %add3A_111 = arith.constant 0 : i32
        %add3A_112 = arith.addi %mul3A_110, %add3A_111 : i32
        %get3A = arith.index_cast %add3A_112 : i32 to index
        %get3A_113 = arith.constant 0 : index
        %get3A_114 = tpu.vector_load %arg6[%get3A, %get3A_113] {strides = array<i32>} : memref<200x128xf32, #tpu.memory_space<vmem>>, vector<1x16xf32>,
        %get3A_115 = vector.shape_cast %get3A_114 : vector<1x16xf32> to vector<16xf32>
        %add3A_116 = arith.constant 0 : i32
        %add3A_117 = arith.addi %mul3A_110, %add3A_116 : i32
        %swap3A = arith.index_cast %add3A_117 : i32 to index
        %swap3A_118 = arith.constant 0 : index
        %swap3A_119 = tpu.vector_load %arg8[%swap3A, %swap3A_118] {strides = array<i32>} : memref<200x64xf32, #tpu.memory_space<vmem>>, vector<1x16xf32>,
        %swap3A_120 = vector.shape_cast %swap3A_119 : vector<1x16xf32> to vector<16xf32>
        %swap3A_121 = vector.shape_cast %get3A_115 : vector<16xf32> to vector<1x16xf32>
        tpu.vector_store %arg8[%swap3A, %swap3A_118], %swap3A_121 {strides = array<i32>} : memref<200x64xf32, #tpu.memory_space<vmem>>, vector<1x16xf32>,
        %add3A_122 = arith.constant 0 : i32
        %add3A_123 = arith.addi %mul3A_110, %add3A_122 : i32
        %get3A_124 = arith.index_cast %add3A_123 : i32 to index
        %get3A_125 = arith.constant 16 : index
        %get3A_126 = tpu.vector_load %arg6[%get3A_124, %get3A_125] {strides = array<i32>} : memref<200x128xf32, #tpu.memory_space<vmem>>, vector<1x16xf32>,
        %get3A_127 = vector.shape_cast %get3A_126 : vector<1x16xf32> to vector<16xf32>
        %add3A_128 = arith.constant 0 : i32
        %add3A_129 = arith.addi %mul3A_110, %add3A_128 : i32
        %swap3A_130 = arith.index_cast %add3A_129 : i32 to index
        %swap3A_131 = arith.constant 16 : index
        %swap3A_132 = tpu.vector_load %arg8[%swap3A_130, %swap3A_131] {strides = array<i32>} : memref<200x64xf32, #tpu.memory_space<vmem>>, vector<1x16xf32>,
        %swap3A_133 = vector.shape_cast %swap3A_132 : vector<1x16xf32> to vector<16xf32>
        %swap3A_134 = vector.shape_cast %get3A_127 : vector<16xf32> to vector<1x16xf32>
        tpu.vector_store %arg8[%swap3A_130, %swap3A_131], %swap3A_134 {strides = array<i32>} : memref<200x64xf32, #tpu.memory_space<vmem>>, vector<1x16xf32>,
        %add3A_135 = arith.constant 0 : i32
        %add3A_136 = arith.addi %mul3A_110, %add3A_135 : i32
        %get3A_137 = arith.index_cast %add3A_136 : i32 to index
        %get3A_138 = arith.constant 32 : index
        %get3A_139 = tpu.vector_load %arg6[%get3A_137, %get3A_138] {strides = array<i32>} : memref<200x128xf32, #tpu.memory_space<vmem>>, vector<1x16xf32>,
        %get3A_140 = vector.shape_cast %get3A_139 : vector<1x16xf32> to vector<16xf32>
        %add3A_141 = arith.constant 0 : i32
        %add3A_142 = arith.addi %mul3A_110, %add3A_141 : i32
        %swap3A_143 = arith.index_cast %add3A_142 : i32 to index
        %swap3A_144 = arith.constant 32 : index
        %swap3A_145 = tpu.vector_load %arg8[%swap3A_143, %swap3A_144] {strides = array<i32>} : memref<200x64xf32, #tpu.memory_space<vmem>>, vector<1x16xf32>,
        %swap3A_146 = vector.shape_cast %swap3A_145 : vector<1x16xf32> to vector<16xf32>
        %swap3A_147 = vector.shape_cast %get3A_140 : vector<16xf32> to vector<1x16xf32>
        tpu.vector_store %arg8[%swap3A_143, %swap3A_144], %swap3A_147 {strides = array<i32>} : memref<200x64xf32, #tpu.memory_space<vmem>>, vector<1x16xf32>,
        %add3A_148 = arith.constant 0 : i32
        %add3A_149 = arith.addi %mul3A_110, %add3A_148 : i32
        %get3A_150 = arith.index_cast %add3A_149 : i32 to index
        %get3A_151 = arith.constant 48 : index
        %get3A_152 = tpu.vector_load %arg6[%get3A_150, %get3A_151] {strides = array<i32>} : memref<200x128xf32, #tpu.memory_space<vmem>>, vector<1x16xf32>,
        %get3A_153 = vector.shape_cast %get3A_152 : vector<1x16xf32> to vector<16xf32>
        %add3A_154 = arith.constant 0 : i32
        %add3A_155 = arith.addi %mul3A_110, %add3A_154 : i32
        %swap3A_156 = arith.index_cast %add3A_155 : i32 to index
        %swap3A_157 = arith.constant 48 : index
        %swap3A_158 = tpu.vector_load %arg8[%swap3A_156, %swap3A_157] {strides = array<i32>} : memref<200x64xf32, #tpu.memory_space<vmem>>, vector<1x16xf32>,
        %swap3A_159 = vector.shape_cast %swap3A_158 : vector<1x16xf32> to vector<16xf32>
        %swap3A_160 = vector.shape_cast %get3A_153 : vector<16xf32> to vector<1x16xf32>
        tpu.vector_store %arg8[%swap3A_156, %swap3A_157], %swap3A_160 {strides = array<i32>} : memref<200x64xf32, #tpu.memory_space<vmem>>, vector<1x16xf32>,
        %add3A_161 = arith.constant 1 : i32
        %add3A_162 = arith.addi %mul3A_110, %add3A_161 : i32
        %get3A_163 = arith.index_cast %add3A_162 : i32 to index
        %get3A_164 = arith.constant 0 : index
        %get3A_165 = tpu.vector_load %arg6[%get3A_163, %get3A_164] {strides = array<i32>} : memref<200x128xf32, #tpu.memory_space<vmem>>, vector<1x16xf32>,
        %get3A_166 = vector.shape_cast %get3A_165 : vector<1x16xf32> to vector<16xf32>
        %add3A_167 = arith.constant 1 : i32
        %add3A_168 = arith.addi %mul3A_110, %add3A_167 : i32
        %swap3A_169 = arith.index_cast %add3A_168 : i32 to index
        %swap3A_170 = arith.constant 0 : index
        %swap3A_171 = tpu.vector_load %arg8[%swap3A_169, %swap3A_170] {strides = array<i32>} : memref<200x64xf32, #tpu.memory_space<vmem>>, vector<1x16xf32>,
        %swap3A_172 = vector.shape_cast %swap3A_171 : vector<1x16xf32> to vector<16xf32>
        %swap3A_173 = vector.shape_cast %get3A_166 : vector<16xf32> to vector<1x16xf32>
        tpu.vector_store %arg8[%swap3A_169, %swap3A_170], %swap3A_173 {strides = array<i32>} : memref<200x64xf32, #tpu.memory_space<vmem>>, vector<1x16xf32>,
        %add3A_174 = arith.constant 1 : i32
        %add3A_175 = arith.addi %mul3A_110, %add3A_174 : i32
        %get3A_176 = arith.index_cast %add3A_175 : i32 to index
        %get3A_177 = arith.constant 16 : index
        %get3A_178 = tpu.vector_load %arg6[%get3A_176, %get3A_177] {strides = array<i32>} : memref<200x128xf32, #tpu.memory_space<vmem>>, vector<1x16xf32>,
        %get3A_179 = vector.shape_cast %get3A_178 : vector<1x16xf32> to vector<16xf32>
        %add3A_180 = arith.constant 1 : i32
        %add3A_181 = arith.addi %mul3A_110, %add3A_180 : i32
        %swap3A_182 = arith.index_cast %add3A_181 : i32 to index
        %swap3A_183 = arith.constant 16 : index
        %swap3A_184 = tpu.vector_load %arg8[%swap3A_182, %swap3A_183] {strides = array<i32>} : memref<200x64xf32, #tpu.memory_space<vmem>>, vector<1x16xf32>,
        %swap3A_185 = vector.shape_cast %swap3A_184 : vector<1x16xf32> to vector<16xf32>
        %swap3A_186 = vector.shape_cast %get3A_179 : vector<16xf32> to vector<1x16xf32>
        tpu.vector_store %arg8[%swap3A_182, %swap3A_183], %swap3A_186 {strides = array<i32>} : memref<200x64xf32, #tpu.memory_space<vmem>>, vector<1x16xf32>,
        %add3A_187 = arith.constant 1 : i32
        %add3A_188 = arith.addi %mul3A_110, %add3A_187 : i32
        %get3A_189 = arith.index_cast %add3A_188 : i32 to index
        %get3A_190 = arith.constant 32 : index
        %get3A_191 = tpu.vector_load %arg6[%get3A_189, %get3A_190] {strides = array<i32>} : memref<200x128xf32, #tpu.memory_space<vmem>>, vector<1x16xf32>,
        %get3A_192 = vector.shape_cast %get3A_191 : vector<1x16xf32> to vector<16xf32>
        %add3A_193 = arith.constant 1 : i32
        %add3A_194 = arith.addi %mul3A_110, %add3A_193 : i32
        %swap3A_195 = arith.index_cast %add3A_194 : i32 to index
        %swap3A_196 = arith.constant 32 : index
        %swap3A_197 = tpu.vector_load %arg8[%swap3A_195, %swap3A_196] {strides = array<i32>} : memref<200x64xf32, #tpu.memory_space<vmem>>, vector<1x16xf32>,
        %swap3A_198 = vector.shape_cast %swap3A_197 : vector<1x16xf32> to vector<16xf32>
        %swap3A_199 = vector.shape_cast %get3A_192 : vector<16xf32> to vector<1x16xf32>
        tpu.vector_store %arg8[%swap3A_195, %swap3A_196], %swap3A_199 {strides = array<i32>} : memref<200x64xf32, #tpu.memory_space<vmem>>, vector<1x16xf32>,
        %add3A_200 = arith.constant 1 : i32
        %add3A_201 = arith.addi %mul3A_110, %add3A_200 : i32
        %get3A_202 = arith.index_cast %add3A_201 : i32 to index
        %get3A_203 = arith.constant 48 : index
        %get3A_204 = tpu.vector_load %arg6[%get3A_202, %get3A_203] {strides = array<i32>} : memref<200x128xf32, #tpu.memory_space<vmem>>, vector<1x16xf32>,
        %get3A_205 = vector.shape_cast %get3A_204 : vector<1x16xf32> to vector<16xf32>
        %add3A_206 = arith.constant 1 : i32
        %add3A_207 = arith.addi %mul3A_110, %add3A_206 : i32
        %swap3A_208 = arith.index_cast %add3A_207 : i32 to index
        %swap3A_209 = arith.constant 48 : index
        %swap3A_210 = tpu.vector_load %arg8[%swap3A_208, %swap3A_209] {strides = array<i32>} : memref<200x64xf32, #tpu.memory_space<vmem>>, vector<1x16xf32>,
        %swap3A_211 = vector.shape_cast %swap3A_210 : vector<1x16xf32> to vector<16xf32>
        %swap3A_212 = vector.shape_cast %get3A_205 : vector<16xf32> to vector<1x16xf32>
        tpu.vector_store %arg8[%swap3A_208, %swap3A_209], %swap3A_212 {strides = array<i32>} : memref<200x64xf32, #tpu.memory_space<vmem>>, vector<1x16xf32>,
        %add3A_213 = arith.constant 2 : i32
        %add3A_214 = arith.addi %mul3A_110, %add3A_213 : i32
        %get3A_215 = arith.index_cast %add3A_214 : i32 to index
        %get3A_216 = arith.constant 0 : index
        %get3A_217 = tpu.vector_load %arg6[%get3A_215, %get3A_216] {strides = array<i32>} : memref<200x128xf32, #tpu.memory_space<vmem>>, vector<1x16xf32>,
        %get3A_218 = vector.shape_cast %get3A_217 : vector<1x16xf32> to vector<16xf32>
        %add3A_219 = arith.constant 2 : i32
        %add3A_220 = arith.addi %mul3A_110, %add3A_219 : i32
        %swap3A_221 = arith.index_cast %add3A_220 : i32 to index
        %swap3A_222 = arith.constant 0 : index
        %swap3A_223 = tpu.vector_load %arg8[%swap3A_221, %swap3A_222] {strides = array<i32>} : memref<200x64xf32, #tpu.memory_space<vmem>>, vector<1x16xf32>,
        %swap3A_224 = vector.shape_cast %swap3A_223 : vector<1x16xf32> to vector<16xf32>
        %swap3A_225 = vector.shape_cast %get3A_218 : vector<16xf32> to vector<1x16xf32>
        tpu.vector_store %arg8[%swap3A_221, %swap3A_222], %swap3A_225 {strides = array<i32>} : memref<200x64xf32, #tpu.memory_space<vmem>>, vector<1x16xf32>,
        %add3A_226 = arith.constant 2 : i32
        %add3A_227 = arith.addi %mul3A_110, %add3A_226 : i32
        %get3A_228 = arith.index_cast %add3A_227 : i32 to index
        %get3A_229 = arith.constant 16 : index
        %get3A_230 = tpu.vector_load %arg6[%get3A_228, %get3A_229] {strides = array<i32>} : memref<200x128xf32, #tpu.memory_space<vmem>>, vector<1x16xf32>,
        %get3A_231 = vector.shape_cast %get3A_230 : vector<1x16xf32> to vector<16xf32>
        %add3A_232 = arith.constant 2 : i32
        %add3A_233 = arith.addi %mul3A_110, %add3A_232 : i32
        %swap3A_234 = arith.index_cast %add3A_233 : i32 to index
        %swap3A_235 = arith.constant 16 : index
        %swap3A_236 = tpu.vector_load %arg8[%swap3A_234, %swap3A_235] {strides = array<i32>} : memref<200x64xf32, #tpu.memory_space<vmem>>, vector<1x16xf32>,
        %swap3A_237 = vector.shape_cast %swap3A_236 : vector<1x16xf32> to vector<16xf32>
        %swap3A_238 = vector.shape_cast %get3A_231 : vector<16xf32> to vector<1x16xf32>
        tpu.vector_store %arg8[%swap3A_234, %swap3A_235], %swap3A_238 {strides = array<i32>} : memref<200x64xf32, #tpu.memory_space<vmem>>, vector<1x16xf32>,
        %add3A_239 = arith.constant 2 : i32
        %add3A_240 = arith.addi %mul3A_110, %add3A_239 : i32
        %get3A_241 = arith.index_cast %add3A_240 : i32 to index
        %get3A_242 = arith.constant 32 : index
        %get3A_243 = tpu.vector_load %arg6[%get3A_241, %get3A_242] {strides = array<i32>} : memref<200x128xf32, #tpu.memory_space<vmem>>, vector<1x16xf32>,
        %get3A_244 = vector.shape_cast %get3A_243 : vector<1x16xf32> to vector<16xf32>
        %add3A_245 = arith.constant 2 : i32
        %add3A_246 = arith.addi %mul3A_110, %add3A_245 : i32
        %swap3A_247 = arith.index_cast %add3A_246 : i32 to index
        %swap3A_248 = arith.constant 32 : index
        %swap3A_249 = tpu.vector_load %arg8[%swap3A_247, %swap3A_248] {strides = array<i32>} : memref<200x64xf32, #tpu.memory_space<vmem>>, vector<1x16xf32>,
        %swap3A_250 = vector.shape_cast %swap3A_249 : vector<1x16xf32> to vector<16xf32>
        %swap3A_251 = vector.shape_cast %get3A_244 : vector<16xf32> to vector<1x16xf32>
        tpu.vector_store %arg8[%swap3A_247, %swap3A_248], %swap3A_251 {strides = array<i32>} : memref<200x64xf32, #tpu.memory_space<vmem>>, vector<1x16xf32>,
        %add3A_252 = arith.constant 2 : i32
        %add3A_253 = arith.addi %mul3A_110, %add3A_252 : i32
        %get3A_254 = arith.index_cast %add3A_253 : i32 to index
        %get3A_255 = arith.constant 48 : index
        %get3A_256 = tpu.vector_load %arg6[%get3A_254, %get3A_255] {strides = array<i32>} : memref<200x128xf32, #tpu.memory_space<vmem>>, vector<1x16xf32>,
        %get3A_257 = vector.shape_cast %get3A_256 : vector<1x16xf32> to vector<16xf32>
        %add3A_258 = arith.constant 2 : i32
        %add3A_259 = arith.addi %mul3A_110, %add3A_258 : i32
        %swap3A_260 = arith.index_cast %add3A_259 : i32 to index
        %swap3A_261 = arith.constant 48 : index
        %swap3A_262 = tpu.vector_load %arg8[%swap3A_260, %swap3A_261] {strides = array<i32>} : memref<200x64xf32, #tpu.memory_space<vmem>>, vector<1x16xf32>,
        %swap3A_263 = vector.shape_cast %swap3A_262 : vector<1x16xf32> to vector<16xf32>
        %swap3A_264 = vector.shape_cast %get3A_257 : vector<16xf32> to vector<1x16xf32>
        tpu.vector_store %arg8[%swap3A_260, %swap3A_261], %swap3A_264 {strides = array<i32>} : memref<200x64xf32, #tpu.memory_space<vmem>>, vector<1x16xf32>,
        %add3A_265 = arith.constant 3 : i32
        %add3A_266 = arith.addi %mul3A_110, %add3A_265 : i32
        %get3A_267 = arith.index_cast %add3A_266 : i32 to index
        %get3A_268 = arith.constant 0 : index
        %get3A_269 = tpu.vector_load %arg6[%get3A_267, %get3A_268] {strides = array<i32>} : memref<200x128xf32, #tpu.memory_space<vmem>>, vector<1x16xf32>,
        %get3A_270 = vector.shape_cast %get3A_269 : vector<1x16xf32> to vector<16xf32>
        %add3A_271 = arith.constant 3 : i32
        %add3A_272 = arith.addi %mul3A_110, %add3A_271 : i32
        %swap3A_273 = arith.index_cast %add3A_272 : i32 to index
        %swap3A_274 = arith.constant 0 : index
        %swap3A_275 = tpu.vector_load %arg8[%swap3A_273, %swap3A_274] {strides = array<i32>} : memref<200x64xf32, #tpu.memory_space<vmem>>, vector<1x16xf32>,
        %swap3A_276 = vector.shape_cast %swap3A_275 : vector<1x16xf32> to vector<16xf32>
        %swap3A_277 = vector.shape_cast %get3A_270 : vector<16xf32> to vector<1x16xf32>
        tpu.vector_store %arg8[%swap3A_273, %swap3A_274], %swap3A_277 {strides = array<i32>} : memref<200x64xf32, #tpu.memory_space<vmem>>, vector<1x16xf32>,
        %add3A_278 = arith.constant 3 : i32
        %add3A_279 = arith.addi %mul3A_110, %add3A_278 : i32
        %get3A_280 = arith.index_cast %add3A_279 : i32 to index
        %get3A_281 = arith.constant 16 : index
        %get3A_282 = tpu.vector_load %arg6[%get3A_280, %get3A_281] {strides = array<i32>} : memref<200x128xf32, #tpu.memory_space<vmem>>, vector<1x16xf32>,
        %get3A_283 = vector.shape_cast %get3A_282 : vector<1x16xf32> to vector<16xf32>
        %add3A_284 = arith.constant 3 : i32
        %add3A_285 = arith.addi %mul3A_110, %add3A_284 : i32
        %swap3A_286 = arith.index_cast %add3A_285 : i32 to index
        %swap3A_287 = arith.constant 16 : index
        %swap3A_288 = tpu.vector_load %arg8[%swap3A_286, %swap3A_287] {strides = array<i32>} : memref<200x64xf32, #tpu.memory_space<vmem>>, vector<1x16xf32>,
        %swap3A_289 = vector.shape_cast %swap3A_288 : vector<1x16xf32> to vector<16xf32>
        %swap3A_290 = vector.shape_cast %get3A_283 : vector<16xf32> to vector<1x16xf32>
        tpu.vector_store %arg8[%swap3A_286, %swap3A_287], %swap3A_290 {strides = array<i32>} : memref<200x64xf32, #tpu.memory_space<vmem>>, vector<1x16xf32>,
        %add3A_291 = arith.constant 3 : i32
        %add3A_292 = arith.addi %mul3A_110, %add3A_291 : i32
        %get3A_293 = arith.index_cast %add3A_292 : i32 to index
        %get3A_294 = arith.constant 32 : index
        %get3A_295 = tpu.vector_load %arg6[%get3A_293, %get3A_294] {strides = array<i32>} : memref<200x128xf32, #tpu.memory_space<vmem>>, vector<1x16xf32>,
        %get3A_296 = vector.shape_cast %get3A_295 : vector<1x16xf32> to vector<16xf32>
        %add3A_297 = arith.constant 3 : i32
        %add3A_298 = arith.addi %mul3A_110, %add3A_297 : i32
        %swap3A_299 = arith.index_cast %add3A_298 : i32 to index
        %swap3A_300 = arith.constant 32 : index
        %swap3A_301 = tpu.vector_load %arg8[%swap3A_299, %swap3A_300] {strides = array<i32>} : memref<200x64xf32, #tpu.memory_space<vmem>>, vector<1x16xf32>,
        %swap3A_302 = vector.shape_cast %swap3A_301 : vector<1x16xf32> to vector<16xf32>
        %swap3A_303 = vector.shape_cast %get3A_296 : vector<16xf32> to vector<1x16xf32>
        tpu.vector_store %arg8[%swap3A_299, %swap3A_300], %swap3A_303 {strides = array<i32>} : memref<200x64xf32, #tpu.memory_space<vmem>>, vector<1x16xf32>,
        %add3A_304 = arith.constant 3 : i32
        %add3A_305 = arith.addi %mul3A_110, %add3A_304 : i32
        %get3A_306 = arith.index_cast %add3A_305 : i32 to index
        %get3A_307 = arith.constant 48 : index
        %get3A_308 = tpu.vector_load %arg6[%get3A_306, %get3A_307] {strides = array<i32>} : memref<200x128xf32, #tpu.memory_space<vmem>>, vector<1x16xf32>,
        %get3A_309 = vector.shape_cast %get3A_308 : vector<1x16xf32> to vector<16xf32>
        %add3A_310 = arith.constant 3 : i32
        %add3A_311 = arith.addi %mul3A_110, %add3A_310 : i32
        %swap3A_312 = arith.index_cast %add3A_311 : i32 to index
        %swap3A_313 = arith.constant 48 : index
        %swap3A_314 = tpu.vector_load %arg8[%swap3A_312, %swap3A_313] {strides = array<i32>} : memref<200x64xf32, #tpu.memory_space<vmem>>, vector<1x16xf32>,
        %swap3A_315 = vector.shape_cast %swap3A_314 : vector<1x16xf32> to vector<16xf32>
        %swap3A_316 = vector.shape_cast %get3A_309 : vector<16xf32> to vector<1x16xf32>
        tpu.vector_store %arg8[%swap3A_312, %swap3A_313], %swap3A_316 {strides = array<i32>} : memref<200x64xf32, #tpu.memory_space<vmem>>, vector<1x16xf32>,
        %add3A_317 = arith.constant 4 : i32
        %add3A_318 = arith.addi %mul3A_110, %add3A_317 : i32
        %get3A_319 = arith.index_cast %add3A_318 : i32 to index
        %get3A_320 = arith.constant 0 : index
        %get3A_321 = tpu.vector_load %arg6[%get3A_319, %get3A_320] {strides = array<i32>} : memref<200x128xf32, #tpu.memory_space<vmem>>, vector<1x16xf32>,
        %get3A_322 = vector.shape_cast %get3A_321 : vector<1x16xf32> to vector<16xf32>
        %add3A_323 = arith.constant 4 : i32
        %add3A_324 = arith.addi %mul3A_110, %add3A_323 : i32
        %swap3A_325 = arith.index_cast %add3A_324 : i32 to index
        %swap3A_326 = arith.constant 0 : index
        %swap3A_327 = tpu.vector_load %arg8[%swap3A_325, %swap3A_326] {strides = array<i32>} : memref<200x64xf32, #tpu.memory_space<vmem>>, vector<1x16xf32>,
        %swap3A_328 = vector.shape_cast %swap3A_327 : vector<1x16xf32> to vector<16xf32>
        %swap3A_329 = vector.shape_cast %get3A_322 : vector<16xf32> to vector<1x16xf32>
        tpu.vector_store %arg8[%swap3A_325, %swap3A_326], %swap3A_329 {strides = array<i32>} : memref<200x64xf32, #tpu.memory_space<vmem>>, vector<1x16xf32>,
        %add3A_330 = arith.constant 4 : i32
        %add3A_331 = arith.addi %mul3A_110, %add3A_330 : i32
        %get3A_332 = arith.index_cast %add3A_331 : i32 to index
        %get3A_333 = arith.constant 16 : index
        %get3A_334 = tpu.vector_load %arg6[%get3A_332, %get3A_333] {strides = array<i32>} : memref<200x128xf32, #tpu.memory_space<vmem>>, vector<1x16xf32>,
        %get3A_335 = vector.shape_cast %get3A_334 : vector<1x16xf32> to vector<16xf32>
        %add3A_336 = arith.constant 4 : i32
        %add3A_337 = arith.addi %mul3A_110, %add3A_336 : i32
        %swap3A_338 = arith.index_cast %add3A_337 : i32 to index
        %swap3A_339 = arith.constant 16 : index
        %swap3A_340 = tpu.vector_load %arg8[%swap3A_338, %swap3A_339] {strides = array<i32>} : memref<200x64xf32, #tpu.memory_space<vmem>>, vector<1x16xf32>,
        %swap3A_341 = vector.shape_cast %swap3A_340 : vector<1x16xf32> to vector<16xf32>
        %swap3A_342 = vector.shape_cast %get3A_335 : vector<16xf32> to vector<1x16xf32>
        tpu.vector_store %arg8[%swap3A_338, %swap3A_339], %swap3A_342 {strides = array<i32>} : memref<200x64xf32, #tpu.memory_space<vmem>>, vector<1x16xf32>,
        %add3A_343 = arith.constant 4 : i32
        %add3A_344 = arith.addi %mul3A_110, %add3A_343 : i32
        %get3A_345 = arith.index_cast %add3A_344 : i32 to index
        %get3A_346 = arith.constant 32 : index
        %get3A_347 = tpu.vector_load %arg6[%get3A_345, %get3A_346] {strides = array<i32>} : memref<200x128xf32, #tpu.memory_space<vmem>>, vector<1x16xf32>,
        %get3A_348 = vector.shape_cast %get3A_347 : vector<1x16xf32> to vector<16xf32>
        %add3A_349 = arith.constant 4 : i32
        %add3A_350 = arith.addi %mul3A_110, %add3A_349 : i32
        %swap3A_351 = arith.index_cast %add3A_350 : i32 to index
        %swap3A_352 = arith.constant 32 : index
        %swap3A_353 = tpu.vector_load %arg8[%swap3A_351, %swap3A_352] {strides = array<i32>} : memref<200x64xf32, #tpu.memory_space<vmem>>, vector<1x16xf32>,
        %swap3A_354 = vector.shape_cast %swap3A_353 : vector<1x16xf32> to vector<16xf32>
        %swap3A_355 = vector.shape_cast %get3A_348 : vector<16xf32> to vector<1x16xf32>
        tpu.vector_store %arg8[%swap3A_351, %swap3A_352], %swap3A_355 {strides = array<i32>} : memref<200x64xf32, #tpu.memory_space<vmem>>, vector<1x16xf32>,
        %add3A_356 = arith.constant 4 : i32
        %add3A_357 = arith.addi %mul3A_110, %add3A_356 : i32
        %get3A_358 = arith.index_cast %add3A_357 : i32 to index
        %get3A_359 = arith.constant 48 : index
        %get3A_360 = tpu.vector_load %arg6[%get3A_358, %get3A_359] {strides = array<i32>} : memref<200x128xf32, #tpu.memory_space<vmem>>, vector<1x16xf32>,
        %get3A_361 = vector.shape_cast %get3A_360 : vector<1x16xf32> to vector<16xf32>
        %add3A_362 = arith.constant 4 : i32
        %add3A_363 = arith.addi %mul3A_110, %add3A_362 : i32
        %swap3A_364 = arith.index_cast %add3A_363 : i32 to index
        %swap3A_365 = arith.constant 48 : index
        %swap3A_366 = tpu.vector_load %arg8[%swap3A_364, %swap3A_365] {strides = array<i32>} : memref<200x64xf32, #tpu.memory_space<vmem>>, vector<1x16xf32>,
        %swap3A_367 = vector.shape_cast %swap3A_366 : vector<1x16xf32> to vector<16xf32>
        %swap3A_368 = vector.shape_cast %get3A_361 : vector<16xf32> to vector<1x16xf32>
        tpu.vector_store %arg8[%swap3A_364, %swap3A_365], %swap3A_368 {strides = array<i32>} : memref<200x64xf32, #tpu.memory_space<vmem>>, vector<1x16xf32>,
        %add3A_369 = arith.constant 5 : i32
        %add3A_370 = arith.addi %mul3A_110, %add3A_369 : i32
        %get3A_371 = arith.index_cast %add3A_370 : i32 to index
        %get3A_372 = arith.constant 0 : index
        %get3A_373 = tpu.vector_load %arg6[%get3A_371, %get3A_372] {strides = array<i32>} : memref<200x128xf32, #tpu.memory_space<vmem>>, vector<1x16xf32>,
        %get3A_374 = vector.shape_cast %get3A_373 : vector<1x16xf32> to vector<16xf32>
        %add3A_375 = arith.constant 5 : i32
        %add3A_376 = arith.addi %mul3A_110, %add3A_375 : i32
        %swap3A_377 = arith.index_cast %add3A_376 : i32 to index
        %swap3A_378 = arith.constant 0 : index
        %swap3A_379 = tpu.vector_load %arg8[%swap3A_377, %swap3A_378] {strides = array<i32>} : memref<200x64xf32, #tpu.memory_space<vmem>>, vector<1x16xf32>,
        %swap3A_380 = vector.shape_cast %swap3A_379 : vector<1x16xf32> to vector<16xf32>
        %swap3A_381 = vector.shape_cast %get3A_374 : vector<16xf32> to vector<1x16xf32>
        tpu.vector_store %arg8[%swap3A_377, %swap3A_378], %swap3A_381 {strides = array<i32>} : memref<200x64xf32, #tpu.memory_space<vmem>>, vector<1x16xf32>,
        %add3A_382 = arith.constant 5 : i32
        %add3A_383 = arith.addi %mul3A_110, %add3A_382 : i32
        %get3A_384 = arith.index_cast %add3A_383 : i32 to index
        %get3A_385 = arith.constant 16 : index
        %get3A_386 = tpu.vector_load %arg6[%get3A_384, %get3A_385] {strides = array<i32>} : memref<200x128xf32, #tpu.memory_space<vmem>>, vector<1x16xf32>,
        %get3A_387 = vector.shape_cast %get3A_386 : vector<1x16xf32> to vector<16xf32>
        %add3A_388 = arith.constant 5 : i32
        %add3A_389 = arith.addi %mul3A_110, %add3A_388 : i32
        %swap3A_390 = arith.index_cast %add3A_389 : i32 to index
        %swap3A_391 = arith.constant 16 : index
        %swap3A_392 = tpu.vector_load %arg8[%swap3A_390, %swap3A_391] {strides = array<i32>} : memref<200x64xf32, #tpu.memory_space<vmem>>, vector<1x16xf32>,
        %swap3A_393 = vector.shape_cast %swap3A_392 : vector<1x16xf32> to vector<16xf32>
        %swap3A_394 = vector.shape_cast %get3A_387 : vector<16xf32> to vector<1x16xf32>
        tpu.vector_store %arg8[%swap3A_390, %swap3A_391], %swap3A_394 {strides = array<i32>} : memref<200x64xf32, #tpu.memory_space<vmem>>, vector<1x16xf32>,
        %add3A_395 = arith.constant 5 : i32
        %add3A_396 = arith.addi %mul3A_110, %add3A_395 : i32
        %get3A_397 = arith.index_cast %add3A_396 : i32 to index
        %get3A_398 = arith.constant 32 : index
        %get3A_399 = tpu.vector_load %arg6[%get3A_397, %get3A_398] {strides = array<i32>} : memref<200x128xf32, #tpu.memory_space<vmem>>, vector<1x16xf32>,
        %get3A_400 = vector.shape_cast %get3A_399 : vector<1x16xf32> to vector<16xf32>
        %add3A_401 = arith.constant 5 : i32
        %add3A_402 = arith.addi %mul3A_110, %add3A_401 : i32
        %swap3A_403 = arith.index_cast %add3A_402 : i32 to index
        %swap3A_404 = arith.constant 32 : index
        %swap3A_405 = tpu.vector_load %arg8[%swap3A_403, %swap3A_404] {strides = array<i32>} : memref<200x64xf32, #tpu.memory_space<vmem>>, vector<1x16xf32>,
        %swap3A_406 = vector.shape_cast %swap3A_405 : vector<1x16xf32> to vector<16xf32>
        %swap3A_407 = vector.shape_cast %get3A_400 : vector<16xf32> to vector<1x16xf32>
        tpu.vector_store %arg8[%swap3A_403, %swap3A_404], %swap3A_407 {strides = array<i32>} : memref<200x64xf32, #tpu.memory_space<vmem>>, vector<1x16xf32>,
        %add3A_408 = arith.constant 5 : i32
        %add3A_409 = arith.addi %mul3A_110, %add3A_408 : i32
        %get3A_410 = arith.index_cast %add3A_409 : i32 to index
        %get3A_411 = arith.constant 48 : index
        %get3A_412 = tpu.vector_load %arg6[%get3A_410, %get3A_411] {strides = array<i32>} : memref<200x128xf32, #tpu.memory_space<vmem>>, vector<1x16xf32>,
        %get3A_413 = vector.shape_cast %get3A_412 : vector<1x16xf32> to vector<16xf32>
        %add3A_414 = arith.constant 5 : i32
        %add3A_415 = arith.addi %mul3A_110, %add3A_414 : i32
        %swap3A_416 = arith.index_cast %add3A_415 : i32 to index
        %swap3A_417 = arith.constant 48 : index
        %swap3A_418 = tpu.vector_load %arg8[%swap3A_416, %swap3A_417] {strides = array<i32>} : memref<200x64xf32, #tpu.memory_space<vmem>>, vector<1x16xf32>,
        %swap3A_419 = vector.shape_cast %swap3A_418 : vector<1x16xf32> to vector<16xf32>
        %swap3A_420 = vector.shape_cast %get3A_413 : vector<16xf32> to vector<1x16xf32>
        tpu.vector_store %arg8[%swap3A_416, %swap3A_417], %swap3A_420 {strides = array<i32>} : memref<200x64xf32, #tpu.memory_space<vmem>>, vector<1x16xf32>,
        %add3A_421 = arith.constant 6 : i32
        %add3A_422 = arith.addi %mul3A_110, %add3A_421 : i32
        %get3A_423 = arith.index_cast %add3A_422 : i32 to index
        %get3A_424 = arith.constant 0 : index
        %get3A_425 = tpu.vector_load %arg6[%get3A_423, %get3A_424] {strides = array<i32>} : memref<200x128xf32, #tpu.memory_space<vmem>>, vector<1x16xf32>,
        %get3A_426 = vector.shape_cast %get3A_425 : vector<1x16xf32> to vector<16xf32>
        %add3A_427 = arith.constant 6 : i32
        %add3A_428 = arith.addi %mul3A_110, %add3A_427 : i32
        %swap3A_429 = arith.index_cast %add3A_428 : i32 to index
        %swap3A_430 = arith.constant 0 : index
        %swap3A_431 = tpu.vector_load %arg8[%swap3A_429, %swap3A_430] {strides = array<i32>} : memref<200x64xf32, #tpu.memory_space<vmem>>, vector<1x16xf32>,
        %swap3A_432 = vector.shape_cast %swap3A_431 : vector<1x16xf32> to vector<16xf32>
        %swap3A_433 = vector.shape_cast %get3A_426 : vector<16xf32> to vector<1x16xf32>
        tpu.vector_store %arg8[%swap3A_429, %swap3A_430], %swap3A_433 {strides = array<i32>} : memref<200x64xf32, #tpu.memory_space<vmem>>, vector<1x16xf32>,
        %add3A_434 = arith.constant 6 : i32
        %add3A_435 = arith.addi %mul3A_110, %add3A_434 : i32
        %get3A_436 = arith.index_cast %add3A_435 : i32 to index
        %get3A_437 = arith.constant 16 : index
        %get3A_438 = tpu.vector_load %arg6[%get3A_436, %get3A_437] {strides = array<i32>} : memref<200x128xf32, #tpu.memory_space<vmem>>, vector<1x16xf32>,
        %get3A_439 = vector.shape_cast %get3A_438 : vector<1x16xf32> to vector<16xf32>
        %add3A_440 = arith.constant 6 : i32
        %add3A_441 = arith.addi %mul3A_110, %add3A_440 : i32
        %swap3A_442 = arith.index_cast %add3A_441 : i32 to index
        %swap3A_443 = arith.constant 16 : index
        %swap3A_444 = tpu.vector_load %arg8[%swap3A_442, %swap3A_443] {strides = array<i32>} : memref<200x64xf32, #tpu.memory_space<vmem>>, vector<1x16xf32>,
        %swap3A_445 = vector.shape_cast %swap3A_444 : vector<1x16xf32> to vector<16xf32>
        %swap3A_446 = vector.shape_cast %get3A_439 : vector<16xf32> to vector<1x16xf32>
        tpu.vector_store %arg8[%swap3A_442, %swap3A_443], %swap3A_446 {strides = array<i32>} : memref<200x64xf32, #tpu.memory_space<vmem>>, vector<1x16xf32>,
        %add3A_447 = arith.constant 6 : i32
        %add3A_448 = arith.addi %mul3A_110, %add3A_447 : i32
        %get3A_449 = arith.index_cast %add3A_448 : i32 to index
        %get3A_450 = arith.constant 32 : index
        %get3A_451 = tpu.vector_load %arg6[%get3A_449, %get3A_450] {strides = array<i32>} : memref<200x128xf32, #tpu.memory_space<vmem>>, vector<1x16xf32>,
        %get3A_452 = vector.shape_cast %get3A_451 : vector<1x16xf32> to vector<16xf32>
        %add3A_453 = arith.constant 6 : i32
        %add3A_454 = arith.addi %mul3A_110, %add3A_453 : i32
        %swap3A_455 = arith.index_cast %add3A_454 : i32 to index
        %swap3A_456 = arith.constant 32 : index
        %swap3A_457 = tpu.vector_load %arg8[%swap3A_455, %swap3A_456] {strides = array<i32>} : memref<200x64xf32, #tpu.memory_space<vmem>>, vector<1x16xf32>,
        %swap3A_458 = vector.shape_cast %swap3A_457 : vector<1x16xf32> to vector<16xf32>
        %swap3A_459 = vector.shape_cast %get3A_452 : vector<16xf32> to vector<1x16xf32>
        tpu.vector_store %arg8[%swap3A_455, %swap3A_456], %swap3A_459 {strides = array<i32>} : memref<200x64xf32, #tpu.memory_space<vmem>>, vector<1x16xf32>,
        %add3A_460 = arith.constant 6 : i32
        %add3A_461 = arith.addi %mul3A_110, %add3A_460 : i32
        %get3A_462 = arith.index_cast %add3A_461 : i32 to index
        %get3A_463 = arith.constant 48 : index
        %get3A_464 = tpu.vector_load %arg6[%get3A_462, %get3A_463] {strides = array<i32>} : memref<200x128xf32, #tpu.memory_space<vmem>>, vector<1x16xf32>,
        %get3A_465 = vector.shape_cast %get3A_464 : vector<1x16xf32> to vector<16xf32>
        %add3A_466 = arith.constant 6 : i32
        %add3A_467 = arith.addi %mul3A_110, %add3A_466 : i32
        %swap3A_468 = arith.index_cast %add3A_467 : i32 to index
        %swap3A_469 = arith.constant 48 : index
        %swap3A_470 = tpu.vector_load %arg8[%swap3A_468, %swap3A_469] {strides = array<i32>} : memref<200x64xf32, #tpu.memory_space<vmem>>, vector<1x16xf32>,
        %swap3A_471 = vector.shape_cast %swap3A_470 : vector<1x16xf32> to vector<16xf32>
        %swap3A_472 = vector.shape_cast %get3A_465 : vector<16xf32> to vector<1x16xf32>
        tpu.vector_store %arg8[%swap3A_468, %swap3A_469], %swap3A_472 {strides = array<i32>} : memref<200x64xf32, #tpu.memory_space<vmem>>, vector<1x16xf32>,
        %add3A_473 = arith.constant 7 : i32
        %add3A_474 = arith.addi %mul3A_110, %add3A_473 : i32
        %get3A_475 = arith.index_cast %add3A_474 : i32 to index
        %get3A_476 = arith.constant 0 : index
        %get3A_477 = tpu.vector_load %arg6[%get3A_475, %get3A_476] {strides = array<i32>} : memref<200x128xf32, #tpu.memory_space<vmem>>, vector<1x16xf32>,
        %get3A_478 = vector.shape_cast %get3A_477 : vector<1x16xf32> to vector<16xf32>
        %add3A_479 = arith.constant 7 : i32
        %add3A_480 = arith.addi %mul3A_110, %add3A_479 : i32
        %swap3A_481 = arith.index_cast %add3A_480 : i32 to index
        %swap3A_482 = arith.constant 0 : index
        %swap3A_483 = tpu.vector_load %arg8[%swap3A_481, %swap3A_482] {strides = array<i32>} : memref<200x64xf32, #tpu.memory_space<vmem>>, vector<1x16xf32>,
        %swap3A_484 = vector.shape_cast %swap3A_483 : vector<1x16xf32> to vector<16xf32>
        %swap3A_485 = vector.shape_cast %get3A_478 : vector<16xf32> to vector<1x16xf32>
        tpu.vector_store %arg8[%swap3A_481, %swap3A_482], %swap3A_485 {strides = array<i32>} : memref<200x64xf32, #tpu.memory_space<vmem>>, vector<1x16xf32>,
        %add3A_486 = arith.constant 7 : i32
        %add3A_487 = arith.addi %mul3A_110, %add3A_486 : i32
        %get3A_488 = arith.index_cast %add3A_487 : i32 to index
        %get3A_489 = arith.constant 16 : index
        %get3A_490 = tpu.vector_load %arg6[%get3A_488, %get3A_489] {strides = array<i32>} : memref<200x128xf32, #tpu.memory_space<vmem>>, vector<1x16xf32>,
        %get3A_491 = vector.shape_cast %get3A_490 : vector<1x16xf32> to vector<16xf32>
        %add3A_492 = arith.constant 7 : i32
        %add3A_493 = arith.addi %mul3A_110, %add3A_492 : i32
        %swap3A_494 = arith.index_cast %add3A_493 : i32 to index
        %swap3A_495 = arith.constant 16 : index
        %swap3A_496 = tpu.vector_load %arg8[%swap3A_494, %swap3A_495] {strides = array<i32>} : memref<200x64xf32, #tpu.memory_space<vmem>>, vector<1x16xf32>,
        %swap3A_497 = vector.shape_cast %swap3A_496 : vector<1x16xf32> to vector<16xf32>
        %swap3A_498 = vector.shape_cast %get3A_491 : vector<16xf32> to vector<1x16xf32>
        tpu.vector_store %arg8[%swap3A_494, %swap3A_495], %swap3A_498 {strides = array<i32>} : memref<200x64xf32, #tpu.memory_space<vmem>>, vector<1x16xf32>,
        %add3A_499 = arith.constant 7 : i32
        %add3A_500 = arith.addi %mul3A_110, %add3A_499 : i32
        %get3A_501 = arith.index_cast %add3A_500 : i32 to index
        %get3A_502 = arith.constant 32 : index
        %get3A_503 = tpu.vector_load %arg6[%get3A_501, %get3A_502] {strides = array<i32>} : memref<200x128xf32, #tpu.memory_space<vmem>>, vector<1x16xf32>,
        %get3A_504 = vector.shape_cast %get3A_503 : vector<1x16xf32> to vector<16xf32>
        %add3A_505 = arith.constant 7 : i32
        %add3A_506 = arith.addi %mul3A_110, %add3A_505 : i32
        %swap3A_507 = arith.index_cast %add3A_506 : i32 to index
        %swap3A_508 = arith.constant 32 : index
        %swap3A_509 = tpu.vector_load %arg8[%swap3A_507, %swap3A_508] {strides = array<i32>} : memref<200x64xf32, #tpu.memory_space<vmem>>, vector<1x16xf32>,
        %swap3A_510 = vector.shape_cast %swap3A_509 : vector<1x16xf32> to vector<16xf32>
        %swap3A_511 = vector.shape_cast %get3A_504 : vector<16xf32> to vector<1x16xf32>
        tpu.vector_store %arg8[%swap3A_507, %swap3A_508], %swap3A_511 {strides = array<i32>} : memref<200x64xf32, #tpu.memory_space<vmem>>, vector<1x16xf32>,
        %add3A_512 = arith.constant 7 : i32
        %add3A_513 = arith.addi %mul3A_110, %add3A_512 : i32
        %get3A_514 = arith.index_cast %add3A_513 : i32 to index
        %get3A_515 = arith.constant 48 : index
        %get3A_516 = tpu.vector_load %arg6[%get3A_514, %get3A_515] {strides = array<i32>} : memref<200x128xf32, #tpu.memory_space<vmem>>, vector<1x16xf32>,
        %get3A_517 = vector.shape_cast %get3A_516 : vector<1x16xf32> to vector<16xf32>
        %add3A_518 = arith.constant 7 : i32
        %add3A_519 = arith.addi %mul3A_110, %add3A_518 : i32
        %swap3A_520 = arith.index_cast %add3A_519 : i32 to index
        %swap3A_521 = arith.constant 48 : index
        %swap3A_522 = tpu.vector_load %arg8[%swap3A_520, %swap3A_521] {strides = array<i32>} : memref<200x64xf32, #tpu.memory_space<vmem>>, vector<1x16xf32>,
        %swap3A_523 = vector.shape_cast %swap3A_522 : vector<1x16xf32> to vector<16xf32>
        %swap3A_524 = vector.shape_cast %get3A_517 : vector<16xf32> to vector<1x16xf32>
        tpu.vector_store %arg8[%swap3A_520, %swap3A_521], %swap3A_524 {strides = array<i32>} : memref<200x64xf32, #tpu.memory_space<vmem>>, vector<1x16xf32>,
      }
      %scan3A_64 = arith.constant 25 : i32
      %add3A_65 = arith.addi %mul3A_2, %mul3A_42 : i32
      %dma_start3A_66 = arith.constant 0 : i32
      %dma_start3A_67 = arith.constant 0 : i32
      %dma_start3A_68 = tpu.memref_slice %arg4[%add3A_65, %dma_start3A_66, %dma_start3A_67] : memref<4096x200x64xf32, #tpu.memory_space<hbm>> -> memref<1x200x64xf32, #tpu.memory_space<hbm>>
      %dma_start3A_69 = tpu.memref_squeeze %dma_start3A_68 : memref<1x200x64xf32, #tpu.memory_space<hbm>> -> memref<200x64xf32, #tpu.memory_space<hbm>>
      %dma_start3A_70 = arith.constant 0 : i32
      %dma_start3A_71 = arith.constant 0 : i32
      %dma_start3A_72 = tpu.memref_slice %arg4[%add3A_65, %dma_start3A_70, %dma_start3A_71] : memref<4096x200x64xf32, #tpu.memory_space<hbm>> -> memref<1x200x64xf32, #tpu.memory_space<hbm>>
      %dma_start3A_73 = tpu.memref_squeeze %dma_start3A_72 : memref<1x200x64xf32, #tpu.memory_space<hbm>> -> memref<200x64xf32, #tpu.memory_space<hbm>>
      tpu.enqueue_dma source(%arg8 : memref<200x64xf32, #tpu.memory_space<vmem>>) target(%dma_start3A_73 : memref<200x64xf32, #tpu.memory_space<hbm>>) target_semaphore(%arg12 : memref<!tpu.dma_semaphore, #tpu.memory_space<semaphore_mem>>)
      %mul3A_74 = arith.constant 2 : i32
      %mul3A_75 = arith.muli %mul3A_74, %scan3A_40 : i32
      %add3A_76 = arith.constant 1 : i32
      %add3A_77 = arith.addi %mul3A_75, %add3A_76 : i32
      %lt3A = arith.constant 63 : i32
      %lt3A_78 = arith.cmpi slt, %scan3A_40, %lt3A : i32
      %convert_element_type3A_79 = arith.extui %lt3A_78 : i1 to i32
      %cond3A_80 = arith.constant 0 : i32
      %cond3A_81 = arith.cmpi ne, %convert_element_type3A_79, %cond3A_80 : i32
      scf.if %cond3A_81 {
        %add3A_108 = arith.constant 1 : i32
        %add3A_109 = arith.addi %add3A_77, %add3A_108 : i32
        %mul3A_110 = arith.constant 200 : i32
        %mul3A_111 = arith.muli %add3A_109, %mul3A_110 : i32
        %dma_start3A_112 = tpu.memref_slice %arg5[%mul3A_111] : memref<25600xi32, #tpu.memory_space<vmem>> -> memref<200xi32, #tpu.memory_space<vmem>>
        %dma_start3A_113 = arith.constant 0 : i32
        %dma_start3A_114 = arith.constant 0 : i32
        %dma_start3A_115 = tpu.memref_slice %arg2[%dma_start3A_113, %dma_start3A_114] : memref<13952x128xf32, #tpu.memory_space<hbm>> -> memref<13952x128xf32, #tpu.memory_space<hbm>>
        tpu.enqueue_indirect_dma source(%dma_start3A_115 : memref<13952x128xf32, #tpu.memory_space<hbm>>) target(%arg6 : memref<200x128xf32, #tpu.memory_space<vmem>>) offsets(%dma_start3A_112 : memref<200xi32, #tpu.memory_space<vmem>>) semaphore(%arg10 : memref<!tpu.dma_semaphore, #tpu.memory_space<semaphore_mem>>)
      } else {
      }
      %dma_wait3A_82 = arith.constant 0 : i32
      %dma_wait3A_83 = arith.constant 0 : i32
      %dma_wait3A_84 = tpu.memref_slice %arg2[%dma_wait3A_82, %dma_wait3A_83] : memref<13952x128xf32, #tpu.memory_space<hbm>> -> memref<200x128xf32, #tpu.memory_space<hbm>>
      %dma_wait3A_85 = arith.constant 0 : i32
      %dma_wait3A_86 = arith.constant 0 : i32
      %dma_wait3A_87 = tpu.memref_slice %arg2[%dma_wait3A_85, %dma_wait3A_86] : memref<13952x128xf32, #tpu.memory_space<hbm>> -> memref<200x128xf32, #tpu.memory_space<hbm>>
      tpu.wait_dma2 semaphore(%arg11 : memref<!tpu.dma_semaphore, #tpu.memory_space<semaphore_mem>>) src(%dma_wait3A_87 : memref<200x128xf32, #tpu.memory_space<hbm>>) dst(%arg7 : memref<200x128xf32, #tpu.memory_space<vmem>>)
      %ge3A_88 = arith.constant 1 : i32
      %ge3A_89 = arith.cmpi sge, %scan3A_40, %ge3A_88 : i32
      %convert_element_type3A_90 = arith.extui %ge3A_89 : i1 to i32
      %cond3A_91 = arith.constant 0 : i32
      %cond3A_92 = arith.cmpi ne, %convert_element_type3A_90, %cond3A_91 : i32
      scf.if %cond3A_92 {
        %add3A_108 = arith.addi %mul3A_2, %add3A_77 : i32
        %sub3A_109 = arith.constant 2 : i32
        %sub3A_110 = arith.subi %add3A_108, %sub3A_109 : i32
        %dma_wait3A_111 = arith.constant 0 : i32
        %dma_wait3A_112 = arith.constant 0 : i32
        %dma_wait3A_113 = tpu.memref_slice %arg4[%sub3A_110, %dma_wait3A_111, %dma_wait3A_112] : memref<4096x200x64xf32, #tpu.memory_space<hbm>> -> memref<1x200x64xf32, #tpu.memory_space<hbm>>
        %dma_wait3A_114 = tpu.memref_squeeze %dma_wait3A_113 : memref<1x200x64xf32, #tpu.memory_space<hbm>> -> memref<200x64xf32, #tpu.memory_space<hbm>>
        %dma_wait3A_115 = arith.constant 0 : i32
        %dma_wait3A_116 = arith.constant 0 : i32
        %dma_wait3A_117 = tpu.memref_slice %arg4[%sub3A_110, %dma_wait3A_115, %dma_wait3A_116] : memref<4096x200x64xf32, #tpu.memory_space<hbm>> -> memref<1x200x64xf32, #tpu.memory_space<hbm>>
        %dma_wait3A_118 = tpu.memref_squeeze %dma_wait3A_117 : memref<1x200x64xf32, #tpu.memory_space<hbm>> -> memref<200x64xf32, #tpu.memory_space<hbm>>
        tpu.wait_dma2 semaphore(%arg13 : memref<!tpu.dma_semaphore, #tpu.memory_space<semaphore_mem>>) src(%arg9 : memref<200x64xf32, #tpu.memory_space<vmem>>) dst(%dma_wait3A_118 : memref<200x64xf32, #tpu.memory_space<hbm>>)
      } else {
      }
      %scan3A_93 = arith.constant 0 : i32
      %scan3A_94 = arith.constant 0 : i32
      %scan3A_95 = arith.constant 25 : i32
      %scan3A_96 = arith.addi %scan3A_94, %scan3A_95 : i32
      %scan3A_97 = arith.constant 1 : i32
      scf.for %scan3A_108 = %scan3A_94 to %scan3A_96 step %scan3A_97  : i32 {
        %mul3A_109 = arith.constant 8 : i32
        %mul3A_110 = arith.muli %scan3A_108, %mul3A_109 : i32
        %add3A_111 = arith.constant 0 : i32
        %add3A_112 = arith.addi %mul3A_110, %add3A_111 : i32
        %get3A = arith.index_cast %add3A_112 : i32 to index
        %get3A_113 = arith.constant 0 : index
        %get3A_114 = tpu.vector_load %arg7[%get3A, %get3A_113] {strides = array<i32>} : memref<200x128xf32, #tpu.memory_space<vmem>>, vector<1x16xf32>,
        %get3A_115 = vector.shape_cast %get3A_114 : vector<1x16xf32> to vector<16xf32>
        %add3A_116 = arith.constant 0 : i32
        %add3A_117 = arith.addi %mul3A_110, %add3A_116 : i32
        %swap3A = arith.index_cast %add3A_117 : i32 to index
        %swap3A_118 = arith.constant 0 : index
        %swap3A_119 = tpu.vector_load %arg9[%swap3A, %swap3A_118] {strides = array<i32>} : memref<200x64xf32, #tpu.memory_space<vmem>>, vector<1x16xf32>,
        %swap3A_120 = vector.shape_cast %swap3A_119 : vector<1x16xf32> to vector<16xf32>
        %swap3A_121 = vector.shape_cast %get3A_115 : vector<16xf32> to vector<1x16xf32>
        tpu.vector_store %arg9[%swap3A, %swap3A_118], %swap3A_121 {strides = array<i32>} : memref<200x64xf32, #tpu.memory_space<vmem>>, vector<1x16xf32>,
        %add3A_122 = arith.constant 0 : i32
        %add3A_123 = arith.addi %mul3A_110, %add3A_122 : i32
        %get3A_124 = arith.index_cast %add3A_123 : i32 to index
        %get3A_125 = arith.constant 16 : index
        %get3A_126 = tpu.vector_load %arg7[%get3A_124, %get3A_125] {strides = array<i32>} : memref<200x128xf32, #tpu.memory_space<vmem>>, vector<1x16xf32>,
        %get3A_127 = vector.shape_cast %get3A_126 : vector<1x16xf32> to vector<16xf32>
        %add3A_128 = arith.constant 0 : i32
        %add3A_129 = arith.addi %mul3A_110, %add3A_128 : i32
        %swap3A_130 = arith.index_cast %add3A_129 : i32 to index
        %swap3A_131 = arith.constant 16 : index
        %swap3A_132 = tpu.vector_load %arg9[%swap3A_130, %swap3A_131] {strides = array<i32>} : memref<200x64xf32, #tpu.memory_space<vmem>>, vector<1x16xf32>,
        %swap3A_133 = vector.shape_cast %swap3A_132 : vector<1x16xf32> to vector<16xf32>
        %swap3A_134 = vector.shape_cast %get3A_127 : vector<16xf32> to vector<1x16xf32>
        tpu.vector_store %arg9[%swap3A_130, %swap3A_131], %swap3A_134 {strides = array<i32>} : memref<200x64xf32, #tpu.memory_space<vmem>>, vector<1x16xf32>,
        %add3A_135 = arith.constant 0 : i32
        %add3A_136 = arith.addi %mul3A_110, %add3A_135 : i32
        %get3A_137 = arith.index_cast %add3A_136 : i32 to index
        %get3A_138 = arith.constant 32 : index
        %get3A_139 = tpu.vector_load %arg7[%get3A_137, %get3A_138] {strides = array<i32>} : memref<200x128xf32, #tpu.memory_space<vmem>>, vector<1x16xf32>,
        %get3A_140 = vector.shape_cast %get3A_139 : vector<1x16xf32> to vector<16xf32>
        %add3A_141 = arith.constant 0 : i32
        %add3A_142 = arith.addi %mul3A_110, %add3A_141 : i32
        %swap3A_143 = arith.index_cast %add3A_142 : i32 to index
        %swap3A_144 = arith.constant 32 : index
        %swap3A_145 = tpu.vector_load %arg9[%swap3A_143, %swap3A_144] {strides = array<i32>} : memref<200x64xf32, #tpu.memory_space<vmem>>, vector<1x16xf32>,
        %swap3A_146 = vector.shape_cast %swap3A_145 : vector<1x16xf32> to vector<16xf32>
        %swap3A_147 = vector.shape_cast %get3A_140 : vector<16xf32> to vector<1x16xf32>
        tpu.vector_store %arg9[%swap3A_143, %swap3A_144], %swap3A_147 {strides = array<i32>} : memref<200x64xf32, #tpu.memory_space<vmem>>, vector<1x16xf32>,
        %add3A_148 = arith.constant 0 : i32
        %add3A_149 = arith.addi %mul3A_110, %add3A_148 : i32
        %get3A_150 = arith.index_cast %add3A_149 : i32 to index
        %get3A_151 = arith.constant 48 : index
        %get3A_152 = tpu.vector_load %arg7[%get3A_150, %get3A_151] {strides = array<i32>} : memref<200x128xf32, #tpu.memory_space<vmem>>, vector<1x16xf32>,
        %get3A_153 = vector.shape_cast %get3A_152 : vector<1x16xf32> to vector<16xf32>
        %add3A_154 = arith.constant 0 : i32
        %add3A_155 = arith.addi %mul3A_110, %add3A_154 : i32
        %swap3A_156 = arith.index_cast %add3A_155 : i32 to index
        %swap3A_157 = arith.constant 48 : index
        %swap3A_158 = tpu.vector_load %arg9[%swap3A_156, %swap3A_157] {strides = array<i32>} : memref<200x64xf32, #tpu.memory_space<vmem>>, vector<1x16xf32>,
        %swap3A_159 = vector.shape_cast %swap3A_158 : vector<1x16xf32> to vector<16xf32>
        %swap3A_160 = vector.shape_cast %get3A_153 : vector<16xf32> to vector<1x16xf32>
        tpu.vector_store %arg9[%swap3A_156, %swap3A_157], %swap3A_160 {strides = array<i32>} : memref<200x64xf32, #tpu.memory_space<vmem>>, vector<1x16xf32>,
        %add3A_161 = arith.constant 1 : i32
        %add3A_162 = arith.addi %mul3A_110, %add3A_161 : i32
        %get3A_163 = arith.index_cast %add3A_162 : i32 to index
        %get3A_164 = arith.constant 0 : index
        %get3A_165 = tpu.vector_load %arg7[%get3A_163, %get3A_164] {strides = array<i32>} : memref<200x128xf32, #tpu.memory_space<vmem>>, vector<1x16xf32>,
        %get3A_166 = vector.shape_cast %get3A_165 : vector<1x16xf32> to vector<16xf32>
        %add3A_167 = arith.constant 1 : i32
        %add3A_168 = arith.addi %mul3A_110, %add3A_167 : i32
        %swap3A_169 = arith.index_cast %add3A_168 : i32 to index
        %swap3A_170 = arith.constant 0 : index
        %swap3A_171 = tpu.vector_load %arg9[%swap3A_169, %swap3A_170] {strides = array<i32>} : memref<200x64xf32, #tpu.memory_space<vmem>>, vector<1x16xf32>,
        %swap3A_172 = vector.shape_cast %swap3A_171 : vector<1x16xf32> to vector<16xf32>
        %swap3A_173 = vector.shape_cast %get3A_166 : vector<16xf32> to vector<1x16xf32>
        tpu.vector_store %arg9[%swap3A_169, %swap3A_170], %swap3A_173 {strides = array<i32>} : memref<200x64xf32, #tpu.memory_space<vmem>>, vector<1x16xf32>,
        %add3A_174 = arith.constant 1 : i32
        %add3A_175 = arith.addi %mul3A_110, %add3A_174 : i32
        %get3A_176 = arith.index_cast %add3A_175 : i32 to index
        %get3A_177 = arith.constant 16 : index
        %get3A_178 = tpu.vector_load %arg7[%get3A_176, %get3A_177] {strides = array<i32>} : memref<200x128xf32, #tpu.memory_space<vmem>>, vector<1x16xf32>,
        %get3A_179 = vector.shape_cast %get3A_178 : vector<1x16xf32> to vector<16xf32>
        %add3A_180 = arith.constant 1 : i32
        %add3A_181 = arith.addi %mul3A_110, %add3A_180 : i32
        %swap3A_182 = arith.index_cast %add3A_181 : i32 to index
        %swap3A_183 = arith.constant 16 : index
        %swap3A_184 = tpu.vector_load %arg9[%swap3A_182, %swap3A_183] {strides = array<i32>} : memref<200x64xf32, #tpu.memory_space<vmem>>, vector<1x16xf32>,
        %swap3A_185 = vector.shape_cast %swap3A_184 : vector<1x16xf32> to vector<16xf32>
        %swap3A_186 = vector.shape_cast %get3A_179 : vector<16xf32> to vector<1x16xf32>
        tpu.vector_store %arg9[%swap3A_182, %swap3A_183], %swap3A_186 {strides = array<i32>} : memref<200x64xf32, #tpu.memory_space<vmem>>, vector<1x16xf32>,
        %add3A_187 = arith.constant 1 : i32
        %add3A_188 = arith.addi %mul3A_110, %add3A_187 : i32
        %get3A_189 = arith.index_cast %add3A_188 : i32 to index
        %get3A_190 = arith.constant 32 : index
        %get3A_191 = tpu.vector_load %arg7[%get3A_189, %get3A_190] {strides = array<i32>} : memref<200x128xf32, #tpu.memory_space<vmem>>, vector<1x16xf32>,
        %get3A_192 = vector.shape_cast %get3A_191 : vector<1x16xf32> to vector<16xf32>
        %add3A_193 = arith.constant 1 : i32
        %add3A_194 = arith.addi %mul3A_110, %add3A_193 : i32
        %swap3A_195 = arith.index_cast %add3A_194 : i32 to index
        %swap3A_196 = arith.constant 32 : index
        %swap3A_197 = tpu.vector_load %arg9[%swap3A_195, %swap3A_196] {strides = array<i32>} : memref<200x64xf32, #tpu.memory_space<vmem>>, vector<1x16xf32>,
        %swap3A_198 = vector.shape_cast %swap3A_197 : vector<1x16xf32> to vector<16xf32>
        %swap3A_199 = vector.shape_cast %get3A_192 : vector<16xf32> to vector<1x16xf32>
        tpu.vector_store %arg9[%swap3A_195, %swap3A_196], %swap3A_199 {strides = array<i32>} : memref<200x64xf32, #tpu.memory_space<vmem>>, vector<1x16xf32>,
        %add3A_200 = arith.constant 1 : i32
        %add3A_201 = arith.addi %mul3A_110, %add3A_200 : i32
        %get3A_202 = arith.index_cast %add3A_201 : i32 to index
        %get3A_203 = arith.constant 48 : index
        %get3A_204 = tpu.vector_load %arg7[%get3A_202, %get3A_203] {strides = array<i32>} : memref<200x128xf32, #tpu.memory_space<vmem>>, vector<1x16xf32>,
        %get3A_205 = vector.shape_cast %get3A_204 : vector<1x16xf32> to vector<16xf32>
        %add3A_206 = arith.constant 1 : i32
        %add3A_207 = arith.addi %mul3A_110, %add3A_206 : i32
        %swap3A_208 = arith.index_cast %add3A_207 : i32 to index
        %swap3A_209 = arith.constant 48 : index
        %swap3A_210 = tpu.vector_load %arg9[%swap3A_208, %swap3A_209] {strides = array<i32>} : memref<200x64xf32, #tpu.memory_space<vmem>>, vector<1x16xf32>,
        %swap3A_211 = vector.shape_cast %swap3A_210 : vector<1x16xf32> to vector<16xf32>
        %swap3A_212 = vector.shape_cast %get3A_205 : vector<16xf32> to vector<1x16xf32>
        tpu.vector_store %arg9[%swap3A_208, %swap3A_209], %swap3A_212 {strides = array<i32>} : memref<200x64xf32, #tpu.memory_space<vmem>>, vector<1x16xf32>,
        %add3A_213 = arith.constant 2 : i32
        %add3A_214 = arith.addi %mul3A_110, %add3A_213 : i32
        %get3A_215 = arith.index_cast %add3A_214 : i32 to index
        %get3A_216 = arith.constant 0 : index
        %get3A_217 = tpu.vector_load %arg7[%get3A_215, %get3A_216] {strides = array<i32>} : memref<200x128xf32, #tpu.memory_space<vmem>>, vector<1x16xf32>,
        %get3A_218 = vector.shape_cast %get3A_217 : vector<1x16xf32> to vector<16xf32>
        %add3A_219 = arith.constant 2 : i32
        %add3A_220 = arith.addi %mul3A_110, %add3A_219 : i32
        %swap3A_221 = arith.index_cast %add3A_220 : i32 to index
        %swap3A_222 = arith.constant 0 : index
        %swap3A_223 = tpu.vector_load %arg9[%swap3A_221, %swap3A_222] {strides = array<i32>} : memref<200x64xf32, #tpu.memory_space<vmem>>, vector<1x16xf32>,
        %swap3A_224 = vector.shape_cast %swap3A_223 : vector<1x16xf32> to vector<16xf32>
        %swap3A_225 = vector.shape_cast %get3A_218 : vector<16xf32> to vector<1x16xf32>
        tpu.vector_store %arg9[%swap3A_221, %swap3A_222], %swap3A_225 {strides = array<i32>} : memref<200x64xf32, #tpu.memory_space<vmem>>, vector<1x16xf32>,
        %add3A_226 = arith.constant 2 : i32
        %add3A_227 = arith.addi %mul3A_110, %add3A_226 : i32
        %get3A_228 = arith.index_cast %add3A_227 : i32 to index
        %get3A_229 = arith.constant 16 : index
        %get3A_230 = tpu.vector_load %arg7[%get3A_228, %get3A_229] {strides = array<i32>} : memref<200x128xf32, #tpu.memory_space<vmem>>, vector<1x16xf32>,
        %get3A_231 = vector.shape_cast %get3A_230 : vector<1x16xf32> to vector<16xf32>
        %add3A_232 = arith.constant 2 : i32
        %add3A_233 = arith.addi %mul3A_110, %add3A_232 : i32
        %swap3A_234 = arith.index_cast %add3A_233 : i32 to index
        %swap3A_235 = arith.constant 16 : index
        %swap3A_236 = tpu.vector_load %arg9[%swap3A_234, %swap3A_235] {strides = array<i32>} : memref<200x64xf32, #tpu.memory_space<vmem>>, vector<1x16xf32>,
        %swap3A_237 = vector.shape_cast %swap3A_236 : vector<1x16xf32> to vector<16xf32>
        %swap3A_238 = vector.shape_cast %get3A_231 : vector<16xf32> to vector<1x16xf32>
        tpu.vector_store %arg9[%swap3A_234, %swap3A_235], %swap3A_238 {strides = array<i32>} : memref<200x64xf32, #tpu.memory_space<vmem>>, vector<1x16xf32>,
        %add3A_239 = arith.constant 2 : i32
        %add3A_240 = arith.addi %mul3A_110, %add3A_239 : i32
        %get3A_241 = arith.index_cast %add3A_240 : i32 to index
        %get3A_242 = arith.constant 32 : index
        %get3A_243 = tpu.vector_load %arg7[%get3A_241, %get3A_242] {strides = array<i32>} : memref<200x128xf32, #tpu.memory_space<vmem>>, vector<1x16xf32>,
        %get3A_244 = vector.shape_cast %get3A_243 : vector<1x16xf32> to vector<16xf32>
        %add3A_245 = arith.constant 2 : i32
        %add3A_246 = arith.addi %mul3A_110, %add3A_245 : i32
        %swap3A_247 = arith.index_cast %add3A_246 : i32 to index
        %swap3A_248 = arith.constant 32 : index
        %swap3A_249 = tpu.vector_load %arg9[%swap3A_247, %swap3A_248] {strides = array<i32>} : memref<200x64xf32, #tpu.memory_space<vmem>>, vector<1x16xf32>,
        %swap3A_250 = vector.shape_cast %swap3A_249 : vector<1x16xf32> to vector<16xf32>
        %swap3A_251 = vector.shape_cast %get3A_244 : vector<16xf32> to vector<1x16xf32>
        tpu.vector_store %arg9[%swap3A_247, %swap3A_248], %swap3A_251 {strides = array<i32>} : memref<200x64xf32, #tpu.memory_space<vmem>>, vector<1x16xf32>,
        %add3A_252 = arith.constant 2 : i32
        %add3A_253 = arith.addi %mul3A_110, %add3A_252 : i32
        %get3A_254 = arith.index_cast %add3A_253 : i32 to index
        %get3A_255 = arith.constant 48 : index
        %get3A_256 = tpu.vector_load %arg7[%get3A_254, %get3A_255] {strides = array<i32>} : memref<200x128xf32, #tpu.memory_space<vmem>>, vector<1x16xf32>,
        %get3A_257 = vector.shape_cast %get3A_256 : vector<1x16xf32> to vector<16xf32>
        %add3A_258 = arith.constant 2 : i32
        %add3A_259 = arith.addi %mul3A_110, %add3A_258 : i32
        %swap3A_260 = arith.index_cast %add3A_259 : i32 to index
        %swap3A_261 = arith.constant 48 : index
        %swap3A_262 = tpu.vector_load %arg9[%swap3A_260, %swap3A_261] {strides = array<i32>} : memref<200x64xf32, #tpu.memory_space<vmem>>, vector<1x16xf32>,
        %swap3A_263 = vector.shape_cast %swap3A_262 : vector<1x16xf32> to vector<16xf32>
        %swap3A_264 = vector.shape_cast %get3A_257 : vector<16xf32> to vector<1x16xf32>
        tpu.vector_store %arg9[%swap3A_260, %swap3A_261], %swap3A_264 {strides = array<i32>} : memref<200x64xf32, #tpu.memory_space<vmem>>, vector<1x16xf32>,
        %add3A_265 = arith.constant 3 : i32
        %add3A_266 = arith.addi %mul3A_110, %add3A_265 : i32
        %get3A_267 = arith.index_cast %add3A_266 : i32 to index
        %get3A_268 = arith.constant 0 : index
        %get3A_269 = tpu.vector_load %arg7[%get3A_267, %get3A_268] {strides = array<i32>} : memref<200x128xf32, #tpu.memory_space<vmem>>, vector<1x16xf32>,
        %get3A_270 = vector.shape_cast %get3A_269 : vector<1x16xf32> to vector<16xf32>
        %add3A_271 = arith.constant 3 : i32
        %add3A_272 = arith.addi %mul3A_110, %add3A_271 : i32
        %swap3A_273 = arith.index_cast %add3A_272 : i32 to index
        %swap3A_274 = arith.constant 0 : index
        %swap3A_275 = tpu.vector_load %arg9[%swap3A_273, %swap3A_274] {strides = array<i32>} : memref<200x64xf32, #tpu.memory_space<vmem>>, vector<1x16xf32>,
        %swap3A_276 = vector.shape_cast %swap3A_275 : vector<1x16xf32> to vector<16xf32>
        %swap3A_277 = vector.shape_cast %get3A_270 : vector<16xf32> to vector<1x16xf32>
        tpu.vector_store %arg9[%swap3A_273, %swap3A_274], %swap3A_277 {strides = array<i32>} : memref<200x64xf32, #tpu.memory_space<vmem>>, vector<1x16xf32>,
        %add3A_278 = arith.constant 3 : i32
        %add3A_279 = arith.addi %mul3A_110, %add3A_278 : i32
        %get3A_280 = arith.index_cast %add3A_279 : i32 to index
        %get3A_281 = arith.constant 16 : index
        %get3A_282 = tpu.vector_load %arg7[%get3A_280, %get3A_281] {strides = array<i32>} : memref<200x128xf32, #tpu.memory_space<vmem>>, vector<1x16xf32>,
        %get3A_283 = vector.shape_cast %get3A_282 : vector<1x16xf32> to vector<16xf32>
        %add3A_284 = arith.constant 3 : i32
        %add3A_285 = arith.addi %mul3A_110, %add3A_284 : i32
        %swap3A_286 = arith.index_cast %add3A_285 : i32 to index
        %swap3A_287 = arith.constant 16 : index
        %swap3A_288 = tpu.vector_load %arg9[%swap3A_286, %swap3A_287] {strides = array<i32>} : memref<200x64xf32, #tpu.memory_space<vmem>>, vector<1x16xf32>,
        %swap3A_289 = vector.shape_cast %swap3A_288 : vector<1x16xf32> to vector<16xf32>
        %swap3A_290 = vector.shape_cast %get3A_283 : vector<16xf32> to vector<1x16xf32>
        tpu.vector_store %arg9[%swap3A_286, %swap3A_287], %swap3A_290 {strides = array<i32>} : memref<200x64xf32, #tpu.memory_space<vmem>>, vector<1x16xf32>,
        %add3A_291 = arith.constant 3 : i32
        %add3A_292 = arith.addi %mul3A_110, %add3A_291 : i32
        %get3A_293 = arith.index_cast %add3A_292 : i32 to index
        %get3A_294 = arith.constant 32 : index
        %get3A_295 = tpu.vector_load %arg7[%get3A_293, %get3A_294] {strides = array<i32>} : memref<200x128xf32, #tpu.memory_space<vmem>>, vector<1x16xf32>,
        %get3A_296 = vector.shape_cast %get3A_295 : vector<1x16xf32> to vector<16xf32>
        %add3A_297 = arith.constant 3 : i32
        %add3A_298 = arith.addi %mul3A_110, %add3A_297 : i32
        %swap3A_299 = arith.index_cast %add3A_298 : i32 to index
        %swap3A_300 = arith.constant 32 : index
        %swap3A_301 = tpu.vector_load %arg9[%swap3A_299, %swap3A_300] {strides = array<i32>} : memref<200x64xf32, #tpu.memory_space<vmem>>, vector<1x16xf32>,
        %swap3A_302 = vector.shape_cast %swap3A_301 : vector<1x16xf32> to vector<16xf32>
        %swap3A_303 = vector.shape_cast %get3A_296 : vector<16xf32> to vector<1x16xf32>
        tpu.vector_store %arg9[%swap3A_299, %swap3A_300], %swap3A_303 {strides = array<i32>} : memref<200x64xf32, #tpu.memory_space<vmem>>, vector<1x16xf32>,
        %add3A_304 = arith.constant 3 : i32
        %add3A_305 = arith.addi %mul3A_110, %add3A_304 : i32
        %get3A_306 = arith.index_cast %add3A_305 : i32 to index
        %get3A_307 = arith.constant 48 : index
        %get3A_308 = tpu.vector_load %arg7[%get3A_306, %get3A_307] {strides = array<i32>} : memref<200x128xf32, #tpu.memory_space<vmem>>, vector<1x16xf32>,
        %get3A_309 = vector.shape_cast %get3A_308 : vector<1x16xf32> to vector<16xf32>
        %add3A_310 = arith.constant 3 : i32
        %add3A_311 = arith.addi %mul3A_110, %add3A_310 : i32
        %swap3A_312 = arith.index_cast %add3A_311 : i32 to index
        %swap3A_313 = arith.constant 48 : index
        %swap3A_314 = tpu.vector_load %arg9[%swap3A_312, %swap3A_313] {strides = array<i32>} : memref<200x64xf32, #tpu.memory_space<vmem>>, vector<1x16xf32>,
        %swap3A_315 = vector.shape_cast %swap3A_314 : vector<1x16xf32> to vector<16xf32>
        %swap3A_316 = vector.shape_cast %get3A_309 : vector<16xf32> to vector<1x16xf32>
        tpu.vector_store %arg9[%swap3A_312, %swap3A_313], %swap3A_316 {strides = array<i32>} : memref<200x64xf32, #tpu.memory_space<vmem>>, vector<1x16xf32>,
        %add3A_317 = arith.constant 4 : i32
        %add3A_318 = arith.addi %mul3A_110, %add3A_317 : i32
        %get3A_319 = arith.index_cast %add3A_318 : i32 to index
        %get3A_320 = arith.constant 0 : index
        %get3A_321 = tpu.vector_load %arg7[%get3A_319, %get3A_320] {strides = array<i32>} : memref<200x128xf32, #tpu.memory_space<vmem>>, vector<1x16xf32>,
        %get3A_322 = vector.shape_cast %get3A_321 : vector<1x16xf32> to vector<16xf32>
        %add3A_323 = arith.constant 4 : i32
        %add3A_324 = arith.addi %mul3A_110, %add3A_323 : i32
        %swap3A_325 = arith.index_cast %add3A_324 : i32 to index
        %swap3A_326 = arith.constant 0 : index
        %swap3A_327 = tpu.vector_load %arg9[%swap3A_325, %swap3A_326] {strides = array<i32>} : memref<200x64xf32, #tpu.memory_space<vmem>>, vector<1x16xf32>,
        %swap3A_328 = vector.shape_cast %swap3A_327 : vector<1x16xf32> to vector<16xf32>
        %swap3A_329 = vector.shape_cast %get3A_322 : vector<16xf32> to vector<1x16xf32>
        tpu.vector_store %arg9[%swap3A_325, %swap3A_326], %swap3A_329 {strides = array<i32>} : memref<200x64xf32, #tpu.memory_space<vmem>>, vector<1x16xf32>,
        %add3A_330 = arith.constant 4 : i32
        %add3A_331 = arith.addi %mul3A_110, %add3A_330 : i32
        %get3A_332 = arith.index_cast %add3A_331 : i32 to index
        %get3A_333 = arith.constant 16 : index
        %get3A_334 = tpu.vector_load %arg7[%get3A_332, %get3A_333] {strides = array<i32>} : memref<200x128xf32, #tpu.memory_space<vmem>>, vector<1x16xf32>,
        %get3A_335 = vector.shape_cast %get3A_334 : vector<1x16xf32> to vector<16xf32>
        %add3A_336 = arith.constant 4 : i32
        %add3A_337 = arith.addi %mul3A_110, %add3A_336 : i32
        %swap3A_338 = arith.index_cast %add3A_337 : i32 to index
        %swap3A_339 = arith.constant 16 : index
        %swap3A_340 = tpu.vector_load %arg9[%swap3A_338, %swap3A_339] {strides = array<i32>} : memref<200x64xf32, #tpu.memory_space<vmem>>, vector<1x16xf32>,
        %swap3A_341 = vector.shape_cast %swap3A_340 : vector<1x16xf32> to vector<16xf32>
        %swap3A_342 = vector.shape_cast %get3A_335 : vector<16xf32> to vector<1x16xf32>
        tpu.vector_store %arg9[%swap3A_338, %swap3A_339], %swap3A_342 {strides = array<i32>} : memref<200x64xf32, #tpu.memory_space<vmem>>, vector<1x16xf32>,
        %add3A_343 = arith.constant 4 : i32
        %add3A_344 = arith.addi %mul3A_110, %add3A_343 : i32
        %get3A_345 = arith.index_cast %add3A_344 : i32 to index
        %get3A_346 = arith.constant 32 : index
        %get3A_347 = tpu.vector_load %arg7[%get3A_345, %get3A_346] {strides = array<i32>} : memref<200x128xf32, #tpu.memory_space<vmem>>, vector<1x16xf32>,
        %get3A_348 = vector.shape_cast %get3A_347 : vector<1x16xf32> to vector<16xf32>
        %add3A_349 = arith.constant 4 : i32
        %add3A_350 = arith.addi %mul3A_110, %add3A_349 : i32
        %swap3A_351 = arith.index_cast %add3A_350 : i32 to index
        %swap3A_352 = arith.constant 32 : index
        %swap3A_353 = tpu.vector_load %arg9[%swap3A_351, %swap3A_352] {strides = array<i32>} : memref<200x64xf32, #tpu.memory_space<vmem>>, vector<1x16xf32>,
        %swap3A_354 = vector.shape_cast %swap3A_353 : vector<1x16xf32> to vector<16xf32>
        %swap3A_355 = vector.shape_cast %get3A_348 : vector<16xf32> to vector<1x16xf32>
        tpu.vector_store %arg9[%swap3A_351, %swap3A_352], %swap3A_355 {strides = array<i32>} : memref<200x64xf32, #tpu.memory_space<vmem>>, vector<1x16xf32>,
        %add3A_356 = arith.constant 4 : i32
        %add3A_357 = arith.addi %mul3A_110, %add3A_356 : i32
        %get3A_358 = arith.index_cast %add3A_357 : i32 to index
        %get3A_359 = arith.constant 48 : index
        %get3A_360 = tpu.vector_load %arg7[%get3A_358, %get3A_359] {strides = array<i32>} : memref<200x128xf32, #tpu.memory_space<vmem>>, vector<1x16xf32>,
        %get3A_361 = vector.shape_cast %get3A_360 : vector<1x16xf32> to vector<16xf32>
        %add3A_362 = arith.constant 4 : i32
        %add3A_363 = arith.addi %mul3A_110, %add3A_362 : i32
        %swap3A_364 = arith.index_cast %add3A_363 : i32 to index
        %swap3A_365 = arith.constant 48 : index
        %swap3A_366 = tpu.vector_load %arg9[%swap3A_364, %swap3A_365] {strides = array<i32>} : memref<200x64xf32, #tpu.memory_space<vmem>>, vector<1x16xf32>,
        %swap3A_367 = vector.shape_cast %swap3A_366 : vector<1x16xf32> to vector<16xf32>
        %swap3A_368 = vector.shape_cast %get3A_361 : vector<16xf32> to vector<1x16xf32>
        tpu.vector_store %arg9[%swap3A_364, %swap3A_365], %swap3A_368 {strides = array<i32>} : memref<200x64xf32, #tpu.memory_space<vmem>>, vector<1x16xf32>,
        %add3A_369 = arith.constant 5 : i32
        %add3A_370 = arith.addi %mul3A_110, %add3A_369 : i32
        %get3A_371 = arith.index_cast %add3A_370 : i32 to index
        %get3A_372 = arith.constant 0 : index
        %get3A_373 = tpu.vector_load %arg7[%get3A_371, %get3A_372] {strides = array<i32>} : memref<200x128xf32, #tpu.memory_space<vmem>>, vector<1x16xf32>,
        %get3A_374 = vector.shape_cast %get3A_373 : vector<1x16xf32> to vector<16xf32>
        %add3A_375 = arith.constant 5 : i32
        %add3A_376 = arith.addi %mul3A_110, %add3A_375 : i32
        %swap3A_377 = arith.index_cast %add3A_376 : i32 to index
        %swap3A_378 = arith.constant 0 : index
        %swap3A_379 = tpu.vector_load %arg9[%swap3A_377, %swap3A_378] {strides = array<i32>} : memref<200x64xf32, #tpu.memory_space<vmem>>, vector<1x16xf32>,
        %swap3A_380 = vector.shape_cast %swap3A_379 : vector<1x16xf32> to vector<16xf32>
        %swap3A_381 = vector.shape_cast %get3A_374 : vector<16xf32> to vector<1x16xf32>
        tpu.vector_store %arg9[%swap3A_377, %swap3A_378], %swap3A_381 {strides = array<i32>} : memref<200x64xf32, #tpu.memory_space<vmem>>, vector<1x16xf32>,
        %add3A_382 = arith.constant 5 : i32
        %add3A_383 = arith.addi %mul3A_110, %add3A_382 : i32
        %get3A_384 = arith.index_cast %add3A_383 : i32 to index
        %get3A_385 = arith.constant 16 : index
        %get3A_386 = tpu.vector_load %arg7[%get3A_384, %get3A_385] {strides = array<i32>} : memref<200x128xf32, #tpu.memory_space<vmem>>, vector<1x16xf32>,
        %get3A_387 = vector.shape_cast %get3A_386 : vector<1x16xf32> to vector<16xf32>
        %add3A_388 = arith.constant 5 : i32
        %add3A_389 = arith.addi %mul3A_110, %add3A_388 : i32
        %swap3A_390 = arith.index_cast %add3A_389 : i32 to index
        %swap3A_391 = arith.constant 16 : index
        %swap3A_392 = tpu.vector_load %arg9[%swap3A_390, %swap3A_391] {strides = array<i32>} : memref<200x64xf32, #tpu.memory_space<vmem>>, vector<1x16xf32>,
        %swap3A_393 = vector.shape_cast %swap3A_392 : vector<1x16xf32> to vector<16xf32>
        %swap3A_394 = vector.shape_cast %get3A_387 : vector<16xf32> to vector<1x16xf32>
        tpu.vector_store %arg9[%swap3A_390, %swap3A_391], %swap3A_394 {strides = array<i32>} : memref<200x64xf32, #tpu.memory_space<vmem>>, vector<1x16xf32>,
        %add3A_395 = arith.constant 5 : i32
        %add3A_396 = arith.addi %mul3A_110, %add3A_395 : i32
        %get3A_397 = arith.index_cast %add3A_396 : i32 to index
        %get3A_398 = arith.constant 32 : index
        %get3A_399 = tpu.vector_load %arg7[%get3A_397, %get3A_398] {strides = array<i32>} : memref<200x128xf32, #tpu.memory_space<vmem>>, vector<1x16xf32>,
        %get3A_400 = vector.shape_cast %get3A_399 : vector<1x16xf32> to vector<16xf32>
        %add3A_401 = arith.constant 5 : i32
        %add3A_402 = arith.addi %mul3A_110, %add3A_401 : i32
        %swap3A_403 = arith.index_cast %add3A_402 : i32 to index
        %swap3A_404 = arith.constant 32 : index
        %swap3A_405 = tpu.vector_load %arg9[%swap3A_403, %swap3A_404] {strides = array<i32>} : memref<200x64xf32, #tpu.memory_space<vmem>>, vector<1x16xf32>,
        %swap3A_406 = vector.shape_cast %swap3A_405 : vector<1x16xf32> to vector<16xf32>
        %swap3A_407 = vector.shape_cast %get3A_400 : vector<16xf32> to vector<1x16xf32>
        tpu.vector_store %arg9[%swap3A_403, %swap3A_404], %swap3A_407 {strides = array<i32>} : memref<200x64xf32, #tpu.memory_space<vmem>>, vector<1x16xf32>,
        %add3A_408 = arith.constant 5 : i32
        %add3A_409 = arith.addi %mul3A_110, %add3A_408 : i32
        %get3A_410 = arith.index_cast %add3A_409 : i32 to index
        %get3A_411 = arith.constant 48 : index
        %get3A_412 = tpu.vector_load %arg7[%get3A_410, %get3A_411] {strides = array<i32>} : memref<200x128xf32, #tpu.memory_space<vmem>>, vector<1x16xf32>,
        %get3A_413 = vector.shape_cast %get3A_412 : vector<1x16xf32> to vector<16xf32>
        %add3A_414 = arith.constant 5 : i32
        %add3A_415 = arith.addi %mul3A_110, %add3A_414 : i32
        %swap3A_416 = arith.index_cast %add3A_415 : i32 to index
        %swap3A_417 = arith.constant 48 : index
        %swap3A_418 = tpu.vector_load %arg9[%swap3A_416, %swap3A_417] {strides = array<i32>} : memref<200x64xf32, #tpu.memory_space<vmem>>, vector<1x16xf32>,
        %swap3A_419 = vector.shape_cast %swap3A_418 : vector<1x16xf32> to vector<16xf32>
        %swap3A_420 = vector.shape_cast %get3A_413 : vector<16xf32> to vector<1x16xf32>
        tpu.vector_store %arg9[%swap3A_416, %swap3A_417], %swap3A_420 {strides = array<i32>} : memref<200x64xf32, #tpu.memory_space<vmem>>, vector<1x16xf32>,
        %add3A_421 = arith.constant 6 : i32
        %add3A_422 = arith.addi %mul3A_110, %add3A_421 : i32
        %get3A_423 = arith.index_cast %add3A_422 : i32 to index
        %get3A_424 = arith.constant 0 : index
        %get3A_425 = tpu.vector_load %arg7[%get3A_423, %get3A_424] {strides = array<i32>} : memref<200x128xf32, #tpu.memory_space<vmem>>, vector<1x16xf32>,
        %get3A_426 = vector.shape_cast %get3A_425 : vector<1x16xf32> to vector<16xf32>
        %add3A_427 = arith.constant 6 : i32
        %add3A_428 = arith.addi %mul3A_110, %add3A_427 : i32
        %swap3A_429 = arith.index_cast %add3A_428 : i32 to index
        %swap3A_430 = arith.constant 0 : index
        %swap3A_431 = tpu.vector_load %arg9[%swap3A_429, %swap3A_430] {strides = array<i32>} : memref<200x64xf32, #tpu.memory_space<vmem>>, vector<1x16xf32>,
        %swap3A_432 = vector.shape_cast %swap3A_431 : vector<1x16xf32> to vector<16xf32>
        %swap3A_433 = vector.shape_cast %get3A_426 : vector<16xf32> to vector<1x16xf32>
        tpu.vector_store %arg9[%swap3A_429, %swap3A_430], %swap3A_433 {strides = array<i32>} : memref<200x64xf32, #tpu.memory_space<vmem>>, vector<1x16xf32>,
        %add3A_434 = arith.constant 6 : i32
        %add3A_435 = arith.addi %mul3A_110, %add3A_434 : i32
        %get3A_436 = arith.index_cast %add3A_435 : i32 to index
        %get3A_437 = arith.constant 16 : index
        %get3A_438 = tpu.vector_load %arg7[%get3A_436, %get3A_437] {strides = array<i32>} : memref<200x128xf32, #tpu.memory_space<vmem>>, vector<1x16xf32>,
        %get3A_439 = vector.shape_cast %get3A_438 : vector<1x16xf32> to vector<16xf32>
        %add3A_440 = arith.constant 6 : i32
        %add3A_441 = arith.addi %mul3A_110, %add3A_440 : i32
        %swap3A_442 = arith.index_cast %add3A_441 : i32 to index
        %swap3A_443 = arith.constant 16 : index
        %swap3A_444 = tpu.vector_load %arg9[%swap3A_442, %swap3A_443] {strides = array<i32>} : memref<200x64xf32, #tpu.memory_space<vmem>>, vector<1x16xf32>,
        %swap3A_445 = vector.shape_cast %swap3A_444 : vector<1x16xf32> to vector<16xf32>
        %swap3A_446 = vector.shape_cast %get3A_439 : vector<16xf32> to vector<1x16xf32>
        tpu.vector_store %arg9[%swap3A_442, %swap3A_443], %swap3A_446 {strides = array<i32>} : memref<200x64xf32, #tpu.memory_space<vmem>>, vector<1x16xf32>,
        %add3A_447 = arith.constant 6 : i32
        %add3A_448 = arith.addi %mul3A_110, %add3A_447 : i32
        %get3A_449 = arith.index_cast %add3A_448 : i32 to index
        %get3A_450 = arith.constant 32 : index
        %get3A_451 = tpu.vector_load %arg7[%get3A_449, %get3A_450] {strides = array<i32>} : memref<200x128xf32, #tpu.memory_space<vmem>>, vector<1x16xf32>,
        %get3A_452 = vector.shape_cast %get3A_451 : vector<1x16xf32> to vector<16xf32>
        %add3A_453 = arith.constant 6 : i32
        %add3A_454 = arith.addi %mul3A_110, %add3A_453 : i32
        %swap3A_455 = arith.index_cast %add3A_454 : i32 to index
        %swap3A_456 = arith.constant 32 : index
        %swap3A_457 = tpu.vector_load %arg9[%swap3A_455, %swap3A_456] {strides = array<i32>} : memref<200x64xf32, #tpu.memory_space<vmem>>, vector<1x16xf32>,
        %swap3A_458 = vector.shape_cast %swap3A_457 : vector<1x16xf32> to vector<16xf32>
        %swap3A_459 = vector.shape_cast %get3A_452 : vector<16xf32> to vector<1x16xf32>
        tpu.vector_store %arg9[%swap3A_455, %swap3A_456], %swap3A_459 {strides = array<i32>} : memref<200x64xf32, #tpu.memory_space<vmem>>, vector<1x16xf32>,
        %add3A_460 = arith.constant 6 : i32
        %add3A_461 = arith.addi %mul3A_110, %add3A_460 : i32
        %get3A_462 = arith.index_cast %add3A_461 : i32 to index
        %get3A_463 = arith.constant 48 : index
        %get3A_464 = tpu.vector_load %arg7[%get3A_462, %get3A_463] {strides = array<i32>} : memref<200x128xf32, #tpu.memory_space<vmem>>, vector<1x16xf32>,
        %get3A_465 = vector.shape_cast %get3A_464 : vector<1x16xf32> to vector<16xf32>
        %add3A_466 = arith.constant 6 : i32
        %add3A_467 = arith.addi %mul3A_110, %add3A_466 : i32
        %swap3A_468 = arith.index_cast %add3A_467 : i32 to index
        %swap3A_469 = arith.constant 48 : index
        %swap3A_470 = tpu.vector_load %arg9[%swap3A_468, %swap3A_469] {strides = array<i32>} : memref<200x64xf32, #tpu.memory_space<vmem>>, vector<1x16xf32>,
        %swap3A_471 = vector.shape_cast %swap3A_470 : vector<1x16xf32> to vector<16xf32>
        %swap3A_472 = vector.shape_cast %get3A_465 : vector<16xf32> to vector<1x16xf32>
        tpu.vector_store %arg9[%swap3A_468, %swap3A_469], %swap3A_472 {strides = array<i32>} : memref<200x64xf32, #tpu.memory_space<vmem>>, vector<1x16xf32>,
        %add3A_473 = arith.constant 7 : i32
        %add3A_474 = arith.addi %mul3A_110, %add3A_473 : i32
        %get3A_475 = arith.index_cast %add3A_474 : i32 to index
        %get3A_476 = arith.constant 0 : index
        %get3A_477 = tpu.vector_load %arg7[%get3A_475, %get3A_476] {strides = array<i32>} : memref<200x128xf32, #tpu.memory_space<vmem>>, vector<1x16xf32>,
        %get3A_478 = vector.shape_cast %get3A_477 : vector<1x16xf32> to vector<16xf32>
        %add3A_479 = arith.constant 7 : i32
        %add3A_480 = arith.addi %mul3A_110, %add3A_479 : i32
        %swap3A_481 = arith.index_cast %add3A_480 : i32 to index
        %swap3A_482 = arith.constant 0 : index
        %swap3A_483 = tpu.vector_load %arg9[%swap3A_481, %swap3A_482] {strides = array<i32>} : memref<200x64xf32, #tpu.memory_space<vmem>>, vector<1x16xf32>,
        %swap3A_484 = vector.shape_cast %swap3A_483 : vector<1x16xf32> to vector<16xf32>
        %swap3A_485 = vector.shape_cast %get3A_478 : vector<16xf32> to vector<1x16xf32>
        tpu.vector_store %arg9[%swap3A_481, %swap3A_482], %swap3A_485 {strides = array<i32>} : memref<200x64xf32, #tpu.memory_space<vmem>>, vector<1x16xf32>,
        %add3A_486 = arith.constant 7 : i32
        %add3A_487 = arith.addi %mul3A_110, %add3A_486 : i32
        %get3A_488 = arith.index_cast %add3A_487 : i32 to index
        %get3A_489 = arith.constant 16 : index
        %get3A_490 = tpu.vector_load %arg7[%get3A_488, %get3A_489] {strides = array<i32>} : memref<200x128xf32, #tpu.memory_space<vmem>>, vector<1x16xf32>,
        %get3A_491 = vector.shape_cast %get3A_490 : vector<1x16xf32> to vector<16xf32>
        %add3A_492 = arith.constant 7 : i32
        %add3A_493 = arith.addi %mul3A_110, %add3A_492 : i32
        %swap3A_494 = arith.index_cast %add3A_493 : i32 to index
        %swap3A_495 = arith.constant 16 : index
        %swap3A_496 = tpu.vector_load %arg9[%swap3A_494, %swap3A_495] {strides = array<i32>} : memref<200x64xf32, #tpu.memory_space<vmem>>, vector<1x16xf32>,
        %swap3A_497 = vector.shape_cast %swap3A_496 : vector<1x16xf32> to vector<16xf32>
        %swap3A_498 = vector.shape_cast %get3A_491 : vector<16xf32> to vector<1x16xf32>
        tpu.vector_store %arg9[%swap3A_494, %swap3A_495], %swap3A_498 {strides = array<i32>} : memref<200x64xf32, #tpu.memory_space<vmem>>, vector<1x16xf32>,
        %add3A_499 = arith.constant 7 : i32
        %add3A_500 = arith.addi %mul3A_110, %add3A_499 : i32
        %get3A_501 = arith.index_cast %add3A_500 : i32 to index
        %get3A_502 = arith.constant 32 : index
        %get3A_503 = tpu.vector_load %arg7[%get3A_501, %get3A_502] {strides = array<i32>} : memref<200x128xf32, #tpu.memory_space<vmem>>, vector<1x16xf32>,
        %get3A_504 = vector.shape_cast %get3A_503 : vector<1x16xf32> to vector<16xf32>
        %add3A_505 = arith.constant 7 : i32
        %add3A_506 = arith.addi %mul3A_110, %add3A_505 : i32
        %swap3A_507 = arith.index_cast %add3A_506 : i32 to index
        %swap3A_508 = arith.constant 32 : index
        %swap3A_509 = tpu.vector_load %arg9[%swap3A_507, %swap3A_508] {strides = array<i32>} : memref<200x64xf32, #tpu.memory_space<vmem>>, vector<1x16xf32>,
        %swap3A_510 = vector.shape_cast %swap3A_509 : vector<1x16xf32> to vector<16xf32>
        %swap3A_511 = vector.shape_cast %get3A_504 : vector<16xf32> to vector<1x16xf32>
        tpu.vector_store %arg9[%swap3A_507, %swap3A_508], %swap3A_511 {strides = array<i32>} : memref<200x64xf32, #tpu.memory_space<vmem>>, vector<1x16xf32>,
        %add3A_512 = arith.constant 7 : i32
        %add3A_513 = arith.addi %mul3A_110, %add3A_512 : i32
        %get3A_514 = arith.index_cast %add3A_513 : i32 to index
        %get3A_515 = arith.constant 48 : index
        %get3A_516 = tpu.vector_load %arg7[%get3A_514, %get3A_515] {strides = array<i32>} : memref<200x128xf32, #tpu.memory_space<vmem>>, vector<1x16xf32>,
        %get3A_517 = vector.shape_cast %get3A_516 : vector<1x16xf32> to vector<16xf32>
        %add3A_518 = arith.constant 7 : i32
        %add3A_519 = arith.addi %mul3A_110, %add3A_518 : i32
        %swap3A_520 = arith.index_cast %add3A_519 : i32 to index
        %swap3A_521 = arith.constant 48 : index
        %swap3A_522 = tpu.vector_load %arg9[%swap3A_520, %swap3A_521] {strides = array<i32>} : memref<200x64xf32, #tpu.memory_space<vmem>>, vector<1x16xf32>,
        %swap3A_523 = vector.shape_cast %swap3A_522 : vector<1x16xf32> to vector<16xf32>
        %swap3A_524 = vector.shape_cast %get3A_517 : vector<16xf32> to vector<1x16xf32>
        tpu.vector_store %arg9[%swap3A_520, %swap3A_521], %swap3A_524 {strides = array<i32>} : memref<200x64xf32, #tpu.memory_space<vmem>>, vector<1x16xf32>,
      }
      %scan3A_98 = arith.constant 25 : i32
      %add3A_99 = arith.addi %mul3A_2, %add3A_77 : i32
      %dma_start3A_100 = arith.constant 0 : i32
      %dma_start3A_101 = arith.constant 0 : i32
      %dma_start3A_102 = tpu.memref_slice %arg4[%add3A_99, %dma_start3A_100, %dma_start3A_101] : memref<4096x200x64xf32, #tpu.memory_space<hbm>> -> memref<1x200x64xf32, #tpu.memory_space<hbm>>
      %dma_start3A_103 = tpu.memref_squeeze %dma_start3A_102 : memref<1x200x64xf32, #tpu.memory_space<hbm>> -> memref<200x64xf32, #tpu.memory_space<hbm>>
      %dma_start3A_104 = arith.constant 0 : i32
      %dma_start3A_105 = arith.constant 0 : i32
      %dma_start3A_106 = tpu.memref_slice %arg4[%add3A_99, %dma_start3A_104, %dma_start3A_105] : memref<4096x200x64xf32, #tpu.memory_space<hbm>> -> memref<1x200x64xf32, #tpu.memory_space<hbm>>
      %dma_start3A_107 = tpu.memref_squeeze %dma_start3A_106 : memref<1x200x64xf32, #tpu.memory_space<hbm>> -> memref<200x64xf32, #tpu.memory_space<hbm>>
      tpu.enqueue_dma source(%arg9 : memref<200x64xf32, #tpu.memory_space<vmem>>) target(%dma_start3A_107 : memref<200x64xf32, #tpu.memory_space<hbm>>) target_semaphore(%arg13 : memref<!tpu.dma_semaphore, #tpu.memory_space<semaphore_mem>>)
    }
    %scan3A_13 = arith.constant 64 : i32
    %add3A_14 = arith.constant 128 : i32
    %add3A_15 = arith.addi %mul3A_2, %add3A_14 : i32
    %sub3A = arith.constant 2 : i32
    %sub3A_16 = arith.subi %add3A_15, %sub3A : i32
    %add3A_17 = arith.constant 0 : i32
    %add3A_18 = arith.addi %sub3A_16, %add3A_17 : i32
    %dma_wait3A = arith.constant 0 : i32
    %dma_wait3A_19 = arith.constant 0 : i32
    %dma_wait3A_20 = tpu.memref_slice %arg4[%add3A_18, %dma_wait3A, %dma_wait3A_19] : memref<4096x200x64xf32, #tpu.memory_space<hbm>> -> memref<1x200x64xf32, #tpu.memory_space<hbm>>
    %dma_wait3A_21 = tpu.memref_squeeze %dma_wait3A_20 : memref<1x200x64xf32, #tpu.memory_space<hbm>> -> memref<200x64xf32, #tpu.memory_space<hbm>>
    %dma_wait3A_22 = arith.constant 0 : i32
    %dma_wait3A_23 = arith.constant 0 : i32
    %dma_wait3A_24 = tpu.memref_slice %arg4[%add3A_18, %dma_wait3A_22, %dma_wait3A_23] : memref<4096x200x64xf32, #tpu.memory_space<hbm>> -> memref<1x200x64xf32, #tpu.memory_space<hbm>>
    %dma_wait3A_25 = tpu.memref_squeeze %dma_wait3A_24 : memref<1x200x64xf32, #tpu.memory_space<hbm>> -> memref<200x64xf32, #tpu.memory_space<hbm>>
    tpu.wait_dma2 semaphore(%arg12 : memref<!tpu.dma_semaphore, #tpu.memory_space<semaphore_mem>>) src(%arg8 : memref<200x64xf32, #tpu.memory_space<vmem>>) dst(%dma_wait3A_25 : memref<200x64xf32, #tpu.memory_space<hbm>>)
    %add3A_26 = arith.constant 128 : i32
    %add3A_27 = arith.addi %mul3A_2, %add3A_26 : i32
    %sub3A_28 = arith.constant 2 : i32
    %sub3A_29 = arith.subi %add3A_27, %sub3A_28 : i32
    %add3A_30 = arith.constant 1 : i32
    %add3A_31 = arith.addi %sub3A_29, %add3A_30 : i32
    %dma_wait3A_32 = arith.constant 0 : i32
    %dma_wait3A_33 = arith.constant 0 : i32
    %dma_wait3A_34 = tpu.memref_slice %arg4[%add3A_31, %dma_wait3A_32, %dma_wait3A_33] : memref<4096x200x64xf32, #tpu.memory_space<hbm>> -> memref<1x200x64xf32, #tpu.memory_space<hbm>>
    %dma_wait3A_35 = tpu.memref_squeeze %dma_wait3A_34 : memref<1x200x64xf32, #tpu.memory_space<hbm>> -> memref<200x64xf32, #tpu.memory_space<hbm>>
    %dma_wait3A_36 = arith.constant 0 : i32
    %dma_wait3A_37 = arith.constant 0 : i32
    %dma_wait3A_38 = tpu.memref_slice %arg4[%add3A_31, %dma_wait3A_36, %dma_wait3A_37] : memref<4096x200x64xf32, #tpu.memory_space<hbm>> -> memref<1x200x64xf32, #tpu.memory_space<hbm>>
    %dma_wait3A_39 = tpu.memref_squeeze %dma_wait3A_38 : memref<1x200x64xf32, #tpu.memory_space<hbm>> -> memref<200x64xf32, #tpu.memory_space<hbm>>
    tpu.wait_dma2 semaphore(%arg13 : memref<!tpu.dma_semaphore, #tpu.memory_space<semaphore_mem>>) src(%arg9 : memref<200x64xf32, #tpu.memory_space<vmem>>) dst(%dma_wait3A_39 : memref<200x64xf32, #tpu.memory_space<hbm>>)
    return
  }
}

module attributes {stable_mosaic.version = 14 : i64} {
  func.func @_blur_body(%arg0: memref<13952x64xf32, #tpu.memory_space<vmem>>, %arg1: memref<13952x128xf32, #tpu.memory_space<vmem>>) attributes {dimension_semantics = [], scalar_prefetch = 0 : i64, scratch_operands = 0 : i64, tpu.core_type = #tpu.core_type<tc>} {
    %get3A = arith.constant 0 : index
    %get3A_0 = arith.constant 0 : index
    %get3A_1 = vector.load %arg0[%get3A, %get3A_0] : memref<13952x64xf32, #tpu.memory_space<vmem>>, vector<13952x64xf32>
    %slice3A = vector.extract_strided_slice %get3A_1 {offsets = [0, 0], sizes = [1, 64], strides = [1, 1]} : vector<13952x64xf32> to vector<1x64xf32>
    %slice3A_2 = vector.extract_strided_slice %get3A_1 {offsets = [0, 0], sizes = [13951, 64], strides = [1, 1]} : vector<13952x64xf32> to vector<13951x64xf32>
    %concatenate3A = tpu.concatenate %slice3A, %slice3A_2 in 0 : vector<1x64xf32>, vector<13951x64xf32> -> vector<13952x64xf32>
    %slice3A_3 = vector.extract_strided_slice %get3A_1 {offsets = [1, 0], sizes = [13951, 64], strides = [1, 1]} : vector<13952x64xf32> to vector<13951x64xf32>
    %slice3A_4 = vector.extract_strided_slice %get3A_1 {offsets = [13951, 0], sizes = [1, 64], strides = [1, 1]} : vector<13952x64xf32> to vector<1x64xf32>
    %concatenate3A_5 = tpu.concatenate %slice3A_3, %slice3A_4 in 0 : vector<13951x64xf32>, vector<1x64xf32> -> vector<13952x64xf32>
    %mul3A = arith.constant 5.000000e-01 : f32
    %mul3A_6 = vector.broadcast %mul3A : f32 to vector<13952x64xf32>
    %mul3A_7 = arith.mulf %mul3A_6, %concatenate3A : vector<13952x64xf32>
    %add3A = arith.addf %mul3A_7, %get3A_1 : vector<13952x64xf32>
    %mul3A_8 = arith.constant 5.000000e-01 : f32
    %mul3A_9 = vector.broadcast %mul3A_8 : f32 to vector<13952x64xf32>
    %mul3A_10 = arith.mulf %mul3A_9, %concatenate3A_5 : vector<13952x64xf32>
    %add3A_11 = arith.addf %add3A, %mul3A_10 : vector<13952x64xf32>
    %concatenate3A_12 = tpu.concatenate %add3A_11, %add3A_11 in 1 : vector<13952x64xf32>, vector<13952x64xf32> -> vector<13952x128xf32>
    %swap3A = arith.constant 0 : index
    %swap3A_13 = arith.constant 0 : index
    %swap3A_14 = vector.load %arg1[%swap3A, %swap3A_13] : memref<13952x128xf32, #tpu.memory_space<vmem>>, vector<13952x128xf32>
    tpu.vector_store %arg1[%swap3A, %swap3A_13], %concatenate3A_12 {strides = array<i32>} : memref<13952x128xf32, #tpu.memory_space<vmem>>, vector<13952x128xf32>,
    return
  }
}

</mosaic_0001>

<sc_bundles>
// kernel: kernel.4.cloned.1.call-start
scs
__scs_entry_jumppad:
0x0: {  	(pc) =	sbr.rel $0x88, $3  }
0x1: {  	(tag) =	ssettag $0x0;
	lr =	simm.s32 $0x1  }
0x2: {  	[smem:$0x3F9F] =	sst lr;
	_ =	strace $0xD0000000  }
0x3: {  	_ = 	snop  }
0x4: {  	_ = 	snop  }
0x5: {  	_ = 	snop  }
0x6: {  	_ = 	snop  }
0x7: {  	_ = 	snop  }
__scs_overlays_trampoline_lowered:
0x8: {  	[smem:$0x3FAE] =	sst s0  }
0x9: {  	[smem:$0x3FAF] =	sst s1  }
0xa: {  	[smem:$0x3FB0] =	sst s2  }
0xb: {  	[smem:$0x3FB1] =	sst s3  }
0xc: {  	[smem:$0x3FB2] =	sst s4  }
0xd: {  	[smem:$0x3FB3] =	sst s5  }
0xe: {  	[smem:$0x3FB4] =	sst s6  }
0xf: {  	[smem:$0x3FB5] =	sst s7  }
0x10: {  	[smem:$0x3FB6] =	sst s8  }
0x11: {  	[smem:$0x3FB7] =	sst s9;
	s0 =	simm.s32 @!p0 $0x0  }
0x12: {  	s1 =	sld [smem:$0x3F9D];
	s0 =	simm.s32 @p0 $0x1  }
0x13: {  	[smem:$0x3FB8] =	sst s0;
	s0 =	simm.s32 @!p1 $0x0  }
0x14: {  	s2 =	sld [smem:$0x3F9C];
	s0 =	simm.s32 @p1 $0x1  }
0x15: {  	[smem:$0x3FB9] =	sst s0;
	s0 =	simm.s32 @!p2 $0x0  }
0x16: {  	s3 =	sld [smem:$0x3FDB];
	s0 =	simm.s32 @p2 $0x1  }
0x17: {  	s4 =	simm.s32 $0x1BF5;
	[smem:$0x3FBB] =	sst s0  }
0x18: {  	s0 =	sld [smem:$0x3F9E];
	_ =	swait.ge [sflag:s4], $0x0  }
0x19: {  	s7 =	sld [smem:$0x3F9F]  }
0x1a: {  	s8 =	sadd.s32 $0xFFFFE003, lr  }
0x1b: {  	s9 =	sadd.s32 $0xFFFFFEF7, lr;
	s5 =	simm.s32 $0xFFFFFFFF;
	p2 =	slt.u32 s8, $0xFFFFF086  }
0x1c: {  	p1 =	slt.u32 s9, $0xF7A;
	s5 =	simm.s32 @!p2 $0x0  }
0x1d: {  	s5 =	simm.s32 @p1 $0x1;
	p0 =	seq.s32 s7, s2  }
0x1e: {  	s7 =	smul.u32 @!p0 $0xF7A, s2;
	p2 =	seq.s32 @!p0 s5, $0x0  }
0x1f: {  	s9 =	smul.u32 $0xF7A, s1;
	s8 =	simm.s32 @!p0 $0x1BF5;
	p2 =	por !p2, p0  }
0x20: {  	[sflag:s8] =	ssyncset.s32 @!p0 $0xFFFFF086;
	s6 =	sadd.s32 @!p0 s3, s7;
	s7 =	simm.s32 @!p0 $0x108  }
0x21: {  	s3 =	sadd.s32 s3, s9;
	s6 =	sadd.s32 @!p0 $0x88, s6;
	s7 =	simm.s32 @p2 $0x1082  }
0x22: {  	[simem:s7], [sflag:s8] =	dma.local @!p0 [hbm:s6], $0xF7A  }
0x23: {  	s9 =	sor.u32 $0xD0000000, s2;
	s6 =	simm.s32 $0x108;
	_ =	swait.ge @!p0 [sflag:s8], $0x0  }
0x24: {  	s3 =	sadd.s32 $0x88, s3;
	s6 =	simm.s32 @!p1 $0x1082;
	[sflag:s4] =	ssyncset.s32 $0xFFFFF086  }
0x25: {  	[simem:s6], [sflag:s4] =	dma.local [hbm:s3], $0xF7A  }
0x26: {  	[smem:$0x3F9F] =	sst s1;
	(tag) =	ssettag s2;
	_ =	strace s9  }
0x27: {  	s1 =	sld [smem:$0x3FAF]  }
0x28: {  	s2 =	sld [smem:$0x3FB0]  }
0x29: {  	s4 =	sld [smem:$0x3FB2]  }
0x2a: {  	p0 =	seq.s32 s5, $0x0;
	s5 =	sld [smem:$0x3FB3]  }
0x2b: {  	s6 =	sld [smem:$0x3FB4]  }
0x2c: {  	s7 =	sld [smem:$0x3FB5]  }
0x2d: {  	s3 =	simm.s32 $0x108;
	s8 =	sld [smem:$0x3FB6]  }
0x2e: {  	s3 =	simm.s32 @!p0 $0x1082;
	s9 =	sld [smem:$0x3FB7]  }
0x2f: {  	lr =	sadd.s32 s0, s3;
	s0 =	sld [smem:$0x3FAE]  }
0x30: {  	s3 =	sld [smem:$0x3FB1]  }
0x31: {  	[smem:$0x3FBA] =	sst s10  }
0x32: {  	s10 =	sld [smem:$0x3FB8];
	_ =	sdelay $0x3  }
0x33: {  	p0 =	seq.s32 s10, $0x1;
	s10 =	sld [smem:$0x3FBA];
	_ =	sdelay $0x3  }
0x34: {  	[smem:$0x3FBA] =	sst s10  }
0x35: {  	s10 =	sld [smem:$0x3FB9];
	_ =	sdelay $0x3  }
0x36: {  	p1 =	seq.s32 s10, $0x1;
	s10 =	sld [smem:$0x3FBA];
	_ =	sdelay $0x3  }
0x37: {  	[smem:$0x3FBA] =	sst s10  }
0x38: {  	s10 =	sld [smem:$0x3FBB]  }
0x39: {  	_ = 	snop;
	(pc) =	sbr.ind lr, $3  }
0x3a: {  	_ = 	snop  }
0x3b: {  	_ = 	snop  }
0x3c: {  	p2 =	seq.s32 s10, $0x1;
	s10 =	sld [smem:$0x3FBA]  }
0x3d: {  	_ =	shalt  }
0x3e: {  	_ =	shalt  }
0x3f: {  	_ =	shalt  }
0x40: {  	_ =	shalt  }
0x41: {  	_ =	shalt  }
0x42: {  	_ =	shalt  }
0x43: {  	_ =	shalt  }
0x44: {  	_ =	shalt  }
0x45: {  	_ =	shalt  }
0x46: {  	_ =	shalt  }
0x47: {  	_ =	shalt  }
0x48: {  	_ =	shalt  }
0x49: {  	_ =	shalt  }
0x4a: {  	_ =	shalt  }
0x4b: {  	_ =	shalt  }
0x4c: {  	_ =	shalt  }
0x4d: {  	_ =	shalt  }
0x4e: {  	_ =	shalt  }
0x4f: {  	_ =	shalt  }
0x50: {  	_ =	shalt  }
0x51: {  	_ =	shalt  }
0x52: {  	_ =	shalt  }
0x53: {  	_ =	shalt  }
0x54: {  	_ =	shalt  }
0x55: {  	_ =	shalt  }
0x56: {  	_ =	shalt  }
0x57: {  	_ =	shalt  }
0x58: {  	_ =	shalt  }
0x59: {  	_ =	shalt  }
0x5a: {  	_ =	shalt  }
0x5b: {  	_ =	shalt  }
0x5c: {  	_ =	shalt  }
0x5d: {  	_ =	shalt  }
0x5e: {  	_ =	shalt  }
0x5f: {  	_ =	shalt  }
0x60: {  	_ =	shalt  }
0x61: {  	_ =	shalt  }
0x62: {  	_ =	shalt  }
0x63: {  	_ =	shalt  }
0x64: {  	_ =	shalt  }
0x65: {  	_ =	shalt  }
0x66: {  	_ =	shalt  }
0x67: {  	_ =	shalt  }
0x68: {  	_ =	shalt  }
0x69: {  	_ =	shalt  }
0x6a: {  	_ =	shalt  }
0x6b: {  	_ =	shalt  }
0x6c: {  	_ =	shalt  }
0x6d: {  	_ =	shalt  }
0x6e: {  	_ =	shalt  }
0x6f: {  	_ =	shalt  }
0x70: {  	_ =	shalt  }
0x71: {  	_ =	shalt  }
0x72: {  	_ =	shalt  }
0x73: {  	_ =	shalt  }
0x74: {  	_ =	shalt  }
0x75: {  	_ =	shalt  }
0x76: {  	_ =	shalt  }
0x77: {  	_ =	shalt  }
0x78: {  	_ =	shalt  }
0x79: {  	_ =	shalt  }
0x7a: {  	_ =	shalt  }
0x7b: {  	_ =	shalt  }
0x7c: {  	_ =	shalt  }
0x7d: {  	_ =	shalt  }
0x7e: {  	_ =	shalt  }
0x7f: {  	_ =	shalt  }
0x80: {  	_ =	shalt  }
0x81: {  	_ =	shalt  }
0x82: {  	_ =	shalt  }
0x83: {  	_ =	shalt  }
0x84: {  	_ =	shalt  }
0x85: {  	_ =	shalt  }
0x86: {  	_ =	shalt  }
0x87: {  	_ =	shalt  }
.Lfunc_end0:
.L_simem_size_0:
called_computation_lowered:
.L_overlay_start_0:
0x88: {  	s2 =	sld [smem:$0x3FD9]  }
0x89: {  	s3 =	sld [smem:$0x3FFE];
	_ =	sdelay $0x1  }
0x8a: {  	s1 =	srdreg.scid  }
0x8b: {  	s0 =	sand.u32 $0x1, s1  }
0x8c: {  	s17 =	sshll.u32 s0, $0xA;
	s2 =	sadd.s32 s3, s2  }
0x8d: {  	s2 =	sadd.s32 s2, s17  }
0x8e: {  	[smem:$0x3FC6] =	sst s2  }
0x8f: {  	_ = 	snop  }
0x90: {  	s2 =	sld [smem:$0x3FD0];
	(tm) =	ssettm $0x1  }
0x91: {  	s18 =	sld [smem:$0x3FFB];
	_ =	sdelay $0x3  }
0x92: {  	_ =	strace s18  }
0x93: {  	s3 =	sld [smem:$0x3FFC];
	_ =	sdelay $0x3  }
0x94: {  	_ =	strace s3  }
0x95: {  	s3 =	sld [smem:$0x3FFD];
	_ =	sdelay $0x3  }
0x96: {  	_ =	strace s3  }
0x97: {  	_ =	strace $0x8FFFFFFF  }
0x98: {  	s19 =	sld [smem:$0x3FDB];
	_ =	sdelay $0x1  }
0x99: {  	s4 =	simm.s32 $_scs_section_size  }
0x9a: {  	s5 =	simm.s32 $_size__tile_overlayer_lowered;
	s6 =	simm.s32 $_tile_overlayer_lowered  }
0x9b: {  	s22 =	simm.s32 $0x1BFF;
	s21 =	sshll.u32 s6, $0x1;
	s3 =	sadd.s32 s4, s19  }
0x9c: {  	s7 =	simm.s32 $0x0;
	s20 =	sshll.u32 s5, $0x1;
	s5 =	sadd.s32 s21, s3  }
0x9d: {  	[timem:s7], [sflag:s22] =	dma.local [hbm:s5], s20  }
0x9e: {  	_ =	swait.ge [sflag:s22], s20  }
0x9f: {  	s4 =	ssub.s32 $0x0, s20;
	[sflag:s22] =	ssyncset.done $0x0  }
0xa0: {  	[sflag:s22] =	ssyncadd.s32 s4;
	_ =	sdelay $0x1  }
0xa1: {  	s23 =	simm.s32 $0x1B8B  }
0xa2: {  	_ =	swait.ge [sflag:s23], $0x1  }
0xa3: {  	[sflag:s23] =	ssyncset.done $0x0  }
0xa4: {  	s25 =	simm.s32 $0x1B8E;
	s24 =	sld [smem:$0x3FFE];
	[sflag:s23] =	ssyncadd.s32 $0xFFFFFFFF  }
0xa5: {  	s26 =	simm.s32 $execute0_lowered;
	[smem:$0x3FD2] =	sst s25  }
0xa6: {  	s5 =	sshll.u32 s26, $0x1;
	_ =	strace $0x80000046;
	[dreg:$0x1] =	wrdreg $0xFFFFFFFF  }
0xa7: {  	s28 =	simm.s32 $_size_execute0_lowered;
	s3 =	sadd.s32 s3, s5;
	[dreg:$0x0] =	wrdreg $0x0  }
0xa8: {  	s5 =	sshll.u32 s28, $0x1;
	[dreg:$0x2] =	wrdreg s3  }
0xa9: {  	[dreg:$0x3] =	wrdreg s5  }
0xaa: {  	[dreg:$0x4] =	wrdreg $0xC0  }
0xab: {  	_ =	task [dreg:s7], $0x5FFFF  }
0xac: {  	[dreg:$0x1] =	wrdreg $0xFFFFFFFF  }
0xad: {  	[dreg:$0x0] =	wrdreg $0x60  }
0xae: {  	[dreg:$0x2] =	wrdreg s2  }
0xaf: {  	[dreg:$0x3] =	wrdreg s24  }
0xb0: {  	[dreg:$0x4] =	wrdreg $0x9  }
0xb1: {  	_ =	task.clear_ibuf [dreg:s7], $0x5FFFF;
	_ =	strace $0x90000046  }
0xb2: {  	s29 =	simm.s32 $0x9;
	_ =	strace $0x80000048  }
0xb3: {  	_ =	swait.ge [sflag:s29], $0x1  }
0xb4: {  	[sflag:s29] =	ssyncadd.s32 $0xFFFFFFFF  }
0xb5: {  	_ =	strace $0x90000048  }
0xb6: {  	_ =	sfence  }
0xb7: {  	s30 =	sld [smem:$0x0];
	_ =	sdelay $0x2  }
0xb8: {  	s31 =	sshll.u32 s1, $0xD;
	s1 =	sshrl.u32 s1, $0x2  }
0xb9: {  	s3 =	sand.u32 $0x4000, s31;
	s1 =	sadd.s32 s1, s30  }
0xba: {  	s0 =	sor.u32 s3, s0;
	s1 =	sshll.u32 s1, $0x11  }
0xbb: {  	s0 =	sor.u32 s1, s0  }
0xbc: {  	s0 =	sadd.s32 $0x8F2B, s0  }
0xbd: {  	[sflag:s0] =	ssyncadd.remote.s32 $0x1  }
0xbe: {  	_ =	sfence.sel $0xFFFF  }
0xbf: {  	[dreg:$0x0] =	wrdreg $0xFFFFFFFF;
	(pc) =	sbr.abs _section_cstart, $3  }
0xc0: {  	[dreg:$0x1] =	wrdreg $0xFFFFFFFF  }
0xc1: {  	_ =	task.clear_ibuf [dreg:s7], $0x2FFFF;
	_ =	strace $0x9FFFFFFF  }
0xc2: {  	(tm) =	ssettm $0x7FFFFFFF  }
0xc3: {  	_ =	shalt  }
tec
execute0_lowered:
.L_overlay_start_1:
0x0: {  	(tag) =	ssettag $0x1  }
0x1: {  	s2 =	rddreg [dreg:$0x0];
	s1 =	srdreg.scid  }
0x2: {  	s0 =	stileid.u32;
	s4 =	rddreg [dreg:$0x1]  }
0x3: {  	s3 =	simm.s32 $0x0;
	s9 =	simm.s32 $0xC8;
	s10 =	simm.s32 $0x6400  }
0x4: {  	s11 =	simm.s32 $0xC800;
	s12 =	simm.s32 $0x1;
	s13 =	simm.s32 $0x12C00  }
0x5: {  	s14 =	simm.s32 $0x2;
	s15 =	simm.s32 $0x4;
	s16 =	simm.s32 $0x19000  }
0x6: {  	s17 =	simm.s32 $0x3;
	s5 =	sand.u32 $0x1, s1;
	s6 =	sshll.u32 s0, $0x1  }
0x7: {  	s18 =	simm.s32 $0x0;
	s6 =	sor.u32 s5, s6;
	s5 =	ssub.s32 $0x2, s5  }
0x8: {  	[smem:$0x7FF] =	sst s3;
	s7 =	smul.u32 $0xC80, s6;
	s8 =	sshrl.u32 s5, $0x1  }
0x9: {  	s1 =	rddreg [dreg:$0x2];
	_ =	strace $0x80000047;
	s8 =	ssub.s32 s5, s8  }
0xa: {  	s5 =	sshll.u32 s6, $0x7;
	s7 =	sadd.s32 s7, s4;
	s4 =	sadd.s32 $0x19800, s4  }
0xb: {  	s6 =	sadd.s32 $0x800, s7;
	s7 =	smax.u32 s8, $0x1;
	s8 =	simm.s32 $0x5  }
.LBB2_1:
0xc: {  	[tilespmem:s3], [sflag:$0x5] =	stream.linear.gather [hbm4b:s6+s3], $0x6400, $0x38;
	[tilespmem:$0x1F400] =	vst v63  }
0xd: {  	_ =	swait.ge [sflag:s8], $0x6400  }
0xe: {  	[sflag:s8] =	ssyncset.done $0x0  }
0xf: {  	s19 =	simm.s32 $0x0;
	[sflag:s8] =	ssyncadd.s32 $0xFFFF9C00  }
0x10: {  	[tilespmem:s10], [sflag:$0x1] =	stream.indirect.gather [hbm4b:s2+s9], $0x80, s3, s9, $0xb8;
	[tilespmem:$0x1F400] =	vst v63  }
.LBB2_2:
0x11: {  	s20 =	sshllo.u32 s19, $0x1  }
0x12: {  	s21 =	smul.u32 $0x320, s20;
	_ =	sdelay $0x1  }
0x13: {  	s21 =	sshra.s32 s21, $0x2  }
0x14: {  	[tilespmem:s11], [sflag:$0x2] =	stream.indirect.gather [hbm4b:s2+s9], $0x80, s21, s9, $0xb8;
	[tilespmem:$0x1F400] =	vst v63  }
0x15: {  	_ =	swait.ge [sflag:s12], $0x6400  }
0x16: {  	p0 =	seq.s32 s19, $0x0;
	[sflag:s12] =	ssyncset.done $0x0  }
0x17: {  	s21 =	simm.s32 @!p0 $0x3;
	[sflag:s12] =	ssyncadd.s32 $0xFFFF9C00  }
0x18: {  	_ =	swait.ge @!p0 [sflag:s21], $0x6400  }
0x19: {  	[sflag:s21] =	ssyncset.done @!p0 $0x0  }
0x1a: {  	[sflag:s21] =	ssyncadd.s32 @!p0 $0xFFFF9C00;
	s21 =	simm.s32 $0x0  }
0x1b: {  	v0 =	vld [tilespmem:s21+$0x67B0]  }
0x1c: {  	v1 =	vld [tilespmem:s21+$0x6400]  }
0x1d: {  	v2 =	vld [tilespmem:s21+$0x6410]  }
0x1e: {  	v3 =	vld [tilespmem:s21+$0x6420]  }
0x1f: {  	v4 =	vld [tilespmem:s21+$0x6430]  }
0x20: {  	v5 =	vld [tilespmem:s21+$0x6480];
	[tilespmem:s21+$0x12FB0] =	vst v0  }
0x21: {  	[tilespmem:s21+$0x12C00] =	vst v1;
	v0 =	vld [tilespmem:s21+$0x6490]  }
0x22: {  	[tilespmem:s21+$0x12C10] =	vst v2;
	v1 =	vld [tilespmem:s21+$0x64A0]  }
0x23: {  	[tilespmem:s21+$0x12C20] =	vst v3;
	v2 =	vld [tilespmem:s21+$0x64B0]  }
0x24: {  	[tilespmem:s21+$0x12C30] =	vst v4;
	v3 =	vld [tilespmem:s21+$0x6500]  }
0x25: {  	[tilespmem:s21+$0x12C80] =	vst v5;
	v4 =	vld [tilespmem:s21+$0x6510]  }
0x26: {  	v5 =	vld [tilespmem:s21+$0x6710];
	[tilespmem:s21+$0x12C90] =	vst v0  }
0x27: {  	v0 =	vld [tilespmem:s21+$0x6520];
	[tilespmem:s21+$0x12CA0] =	vst v1  }
0x28: {  	v1 =	vld [tilespmem:s21+$0x6530];
	[tilespmem:s21+$0x12CB0] =	vst v2  }
0x29: {  	v2 =	vld [tilespmem:s21+$0x6580];
	[tilespmem:s21+$0x12D00] =	vst v3  }
0x2a: {  	v3 =	vld [tilespmem:s21+$0x6590];
	[tilespmem:s21+$0x12D10] =	vst v4  }
0x2b: {  	v4 =	vld [tilespmem:s21+$0x65A0];
	[tilespmem:s21+$0x12F10] =	vst v5  }
0x2c: {  	[tilespmem:s21+$0x12D20] =	vst v0;
	v0 =	vld [tilespmem:s21+$0x65B0]  }
0x2d: {  	[tilespmem:s21+$0x12D30] =	vst v1;
	v1 =	vld [tilespmem:s21+$0x6600]  }
0x2e: {  	[tilespmem:s21+$0x12D80] =	vst v2;
	v2 =	vld [tilespmem:s21+$0x6610]  }
0x2f: {  	[tilespmem:s21+$0x12D90] =	vst v3;
	v3 =	vld [tilespmem:s21+$0x6620]  }
0x30: {  	[tilespmem:s21+$0x12DA0] =	vst v4;
	v4 =	vld [tilespmem:s21+$0x6630]  }
0x31: {  	[tilespmem:s21+$0x12DB0] =	vst v0;
	v0 =	vld [tilespmem:s21+$0x6680]  }
0x32: {  	[tilespmem:s21+$0x12E00] =	vst v1;
	v1 =	vld [tilespmem:s21+$0x6690]  }
0x33: {  	[tilespmem:s21+$0x12E10] =	vst v2;
	v2 =	vld [tilespmem:s21+$0x66A0]  }
0x34: {  	[tilespmem:s21+$0x12E20] =	vst v3;
	v3 =	vld [tilespmem:s21+$0x66B0]  }
0x35: {  	[tilespmem:s21+$0x12E30] =	vst v4;
	v4 =	vld [tilespmem:s21+$0x6700]  }
0x36: {  	[tilespmem:s21+$0x12E80] =	vst v0;
	v0 =	vld [tilespmem:s21+$0x6720]  }
0x37: {  	[tilespmem:s21+$0x12E90] =	vst v1;
	v1 =	vld [tilespmem:s21+$0x6730]  }
0x38: {  	[tilespmem:s21+$0x12EA0] =	vst v2;
	v2 =	vld [tilespmem:s21+$0x6780]  }
0x39: {  	[tilespmem:s21+$0x12EB0] =	vst v3;
	v3 =	vld [tilespmem:s21+$0x6790]  }
0x3a: {  	s22 =	sshll.u32 s19, $0x1;
	s24 =	simm.s32 $0x400;
	s23 =	simm.s32 $0x2000;
	[tilespmem:s21+$0x12F00] =	vst v4;
	v4 =	vld [tilespmem:s21+$0x67A0]  }
.LBB2_3:
0x3b: {  	p1 =	sne.s32 s23, $0x18000;
	v5 =	vld [tilespmem:s24+$0x67B0];
	[tilespmem:s21+$0x12F20] =	vst v0  }
0x3c: {  	v0 =	vld [tilespmem:s24+$0x6400];
	[tilespmem:s21+$0x12F30] =	vst v1  }
0x3d: {  	v1 =	vld [tilespmem:s24+$0x6410];
	[tilespmem:s21+$0x12F80] =	vst v2  }
0x3e: {  	v2 =	vld [tilespmem:s24+$0x6420];
	[tilespmem:s21+$0x12F90] =	vst v3  }
0x3f: {  	v3 =	vld [tilespmem:s24+$0x6430];
	[tilespmem:s21+$0x12FA0] =	vst v4;
	s21 =	smov.u32 s24  }
0x40: {  	v4 =	vld [tilespmem:s21+$0x6480];
	[tilespmem:s21+$0x12FB0] =	vst v5  }
0x41: {  	[tilespmem:s21+$0x12C00] =	vst v0;
	v0 =	vld [tilespmem:s21+$0x6490]  }
0x42: {  	[tilespmem:s21+$0x12C10] =	vst v1;
	v1 =	vld [tilespmem:s21+$0x64A0]  }
0x43: {  	[tilespmem:s21+$0x12C20] =	vst v2;
	v2 =	vld [tilespmem:s21+$0x64B0]  }
0x44: {  	[tilespmem:s21+$0x12C30] =	vst v3;
	v3 =	vld [tilespmem:s21+$0x6500]  }
0x45: {  	[tilespmem:s21+$0x12C80] =	vst v4;
	v4 =	vld [tilespmem:s21+$0x6510]  }
0x46: {  	[tilespmem:s21+$0x12C90] =	vst v0;
	v0 =	vld [tilespmem:s21+$0x6520]  }
0x47: {  	[tilespmem:s21+$0x12CA0] =	vst v1;
	v1 =	vld [tilespmem:s21+$0x6530]  }
0x48: {  	[tilespmem:s21+$0x12CB0] =	vst v2;
	v2 =	vld [tilespmem:s21+$0x6580]  }
0x49: {  	[tilespmem:s21+$0x12D00] =	vst v3;
	v3 =	vld [tilespmem:s21+$0x6590]  }
0x4a: {  	[tilespmem:s21+$0x12D10] =	vst v4;
	v4 =	vld [tilespmem:s21+$0x65A0]  }
0x4b: {  	[tilespmem:s21+$0x12D20] =	vst v0;
	v0 =	vld [tilespmem:s21+$0x65B0]  }
0x4c: {  	[tilespmem:s21+$0x12D30] =	vst v1;
	v1 =	vld [tilespmem:s21+$0x6600]  }
0x4d: {  	[tilespmem:s21+$0x12D80] =	vst v2;
	v2 =	vld [tilespmem:s21+$0x6610]  }
0x4e: {  	[tilespmem:s21+$0x12D90] =	vst v3;
	v3 =	vld [tilespmem:s21+$0x6620]  }
0x4f: {  	[tilespmem:s21+$0x12DA0] =	vst v4;
	v4 =	vld [tilespmem:s21+$0x6630]  }
0x50: {  	[tilespmem:s21+$0x12DB0] =	vst v0;
	v0 =	vld [tilespmem:s21+$0x6680]  }
0x51: {  	[tilespmem:s21+$0x12E00] =	vst v1;
	v1 =	vld [tilespmem:s21+$0x6690]  }
0x52: {  	[tilespmem:s21+$0x12E10] =	vst v2;
	v2 =	vld [tilespmem:s21+$0x66A0]  }
0x53: {  	[tilespmem:s21+$0x12E20] =	vst v3;
	v3 =	vld [tilespmem:s21+$0x66B0]  }
0x54: {  	[tilespmem:s21+$0x12E30] =	vst v4;
	v4 =	vld [tilespmem:s21+$0x6700]  }
0x55: {  	[tilespmem:s21+$0x12E80] =	vst v0;
	v5 =	vld [tilespmem:s21+$0x6710]  }
.Ltmp0:
0x56: {  	[tilespmem:s21+$0x12E90] =	vst v1;
	v0 =	vld [tilespmem:s21+$0x6720];
	(pc) =	sbr.rel @p1 .LBB2_3-.Ltmp0, $4  }
0x57: {  	[tilespmem:s21+$0x12EA0] =	vst v2;
	v1 =	vld [tilespmem:s21+$0x6730]  }
0x58: {  	[tilespmem:s21+$0x12EB0] =	vst v3;
	v2 =	vld [tilespmem:s21+$0x6780]  }
0x59: {  	[tilespmem:s21+$0x12F00] =	vst v4;
	v3 =	vld [tilespmem:s21+$0x6790]  }
0x5a: {  	s24 =	sshra.s32 s23, $0x2;
	s23 =	sadd.s32 $0x1000, s23;
	[tilespmem:s21+$0x12F10] =	vst v5;
	v4 =	vld [tilespmem:s21+$0x67A0]  }
0x5b: {  	v5 =	vld [tilespmem:s24+$0x67B0];
	[tilespmem:s21+$0x12F20] =	vst v0  }
0x5c: {  	v0 =	vld [tilespmem:s24+$0x6400];
	[tilespmem:s21+$0x12F30] =	vst v1  }
0x5d: {  	v1 =	vld [tilespmem:s24+$0x6410];
	[tilespmem:s21+$0x12F80] =	vst v2  }
0x5e: {  	v2 =	vld [tilespmem:s24+$0x6420];
	[tilespmem:s21+$0x12F90] =	vst v3  }
0x5f: {  	v3 =	vld [tilespmem:s24+$0x6430];
	[tilespmem:s21+$0x12FA0] =	vst v4  }
0x60: {  	v4 =	vld [tilespmem:s24+$0x6480];
	[tilespmem:s24+$0x12FB0] =	vst v5  }
0x61: {  	v38 =	vld [tilespmem:s24+$0x6490];
	[tilespmem:s24+$0x12C00] =	vst v0  }
0x62: {  	v39 =	vld [tilespmem:s24+$0x64A0];
	[tilespmem:s24+$0x12C10] =	vst v1  }
0x63: {  	v40 =	vld [tilespmem:s24+$0x64B0];
	[tilespmem:s24+$0x12C20] =	vst v2  }
0x64: {  	v41 =	vld [tilespmem:s24+$0x6500];
	[tilespmem:s24+$0x12C30] =	vst v3  }
0x65: {  	v42 =	vld [tilespmem:s24+$0x6510];
	[tilespmem:s24+$0x12C80] =	vst v4  }
0x66: {  	v43 =	vld [tilespmem:s24+$0x6520];
	[tilespmem:s24+$0x12C90] =	vst v38  }
0x67: {  	v44 =	vld [tilespmem:s24+$0x6530];
	[tilespmem:s24+$0x12CA0] =	vst v39  }
0x68: {  	v45 =	vld [tilespmem:s24+$0x6580];
	[tilespmem:s24+$0x12CB0] =	vst v40  }
0x69: {  	v46 =	vld [tilespmem:s24+$0x6590];
	[tilespmem:s24+$0x12D00] =	vst v41  }
0x6a: {  	v47 =	vld [tilespmem:s24+$0x65A0];
	[tilespmem:s24+$0x12D10] =	vst v42  }
0x6b: {  	v48 =	vld [tilespmem:s24+$0x65B0];
	[tilespmem:s24+$0x12D20] =	vst v43  }
0x6c: {  	v49 =	vld [tilespmem:s24+$0x6600];
	[tilespmem:s24+$0x12D30] =	vst v44  }
0x6d: {  	v50 =	vld [tilespmem:s24+$0x6610];
	[tilespmem:s24+$0x12D80] =	vst v45  }
0x6e: {  	v51 =	vld [tilespmem:s24+$0x6620];
	[tilespmem:s24+$0x12D90] =	vst v46  }
0x6f: {  	v52 =	vld [tilespmem:s24+$0x6630];
	[tilespmem:s24+$0x12DA0] =	vst v47  }
0x70: {  	v53 =	vld [tilespmem:s24+$0x6680];
	[tilespmem:s24+$0x12DB0] =	vst v48  }
0x71: {  	v54 =	vld [tilespmem:s24+$0x6690];
	[tilespmem:s24+$0x12E00] =	vst v49  }
0x72: {  	v55 =	vld [tilespmem:s24+$0x66A0];
	[tilespmem:s24+$0x12E10] =	vst v50  }
0x73: {  	v56 =	vld [tilespmem:s24+$0x66B0];
	[tilespmem:s24+$0x12E20] =	vst v51  }
0x74: {  	v57 =	vld [tilespmem:s24+$0x6700];
	[tilespmem:s24+$0x12E30] =	vst v52  }
0x75: {  	v58 =	vld [tilespmem:s24+$0x6710];
	[tilespmem:s24+$0x12E80] =	vst v53  }
0x76: {  	v59 =	vld [tilespmem:s24+$0x6720];
	[tilespmem:s24+$0x12E90] =	vst v54  }
0x77: {  	v60 =	vld [tilespmem:s24+$0x6730];
	[tilespmem:s24+$0x12EA0] =	vst v55  }
0x78: {  	v61 =	vld [tilespmem:s24+$0x6780];
	[tilespmem:s24+$0x12EB0] =	vst v56  }
0x79: {  	v62 =	vld [tilespmem:s24+$0x6790];
	[tilespmem:s24+$0x12F00] =	vst v57  }
0x7a: {  	v63 =	vld [tilespmem:s24+$0x67A0];
	[tilespmem:s24+$0x12F10] =	vst v58  }
0x7b: {  	p1 =	sne.s32 s19, $0x3F;
	[tilespmem:s24+$0x12F20] =	vst v59  }
.Ltmp1:
0x7c: {  	s31 =	sadd.s32 s5, s22;
	[tilespmem:s24+$0x12F30] =	vst v60;
	(pc) =	sbr.rel @p1 .LBB2_6-.Ltmp1, $4  }
0x7d: {  	s21 =	smul.u32 $0xC80, s31;
	[tilespmem:s24+$0x12F80] =	vst v61  }
0x7e: {  	[tilespmem:s24+$0x12F90] =	vst v62  }
0x7f: {  	s21 =	sadd.s32 s4, s21;
	[tilespmem:s24+$0x12FA0] =	vst v63  }
0x80: {  	[hbm4b:s21+s3] =	stream.linear.scatter [tilespmem:s13], [sflag:$0x3], $0x6400, $0x38;
	[tilespmem:$0x1F400] =	vst v63  }
.Ltmp2:
0x81: {  	(pc) =	sbr.rel .LBB2_7-.Ltmp2, $4  }
0x82: {  	_ = 	snop  }
0x83: {  	_ =	swait.ge [sflag:s14], $0x6400  }
0x84: {  	[sflag:s14] =	ssyncset.done $0x0  }
0x85: {  	[sflag:s14] =	ssyncadd.s32 $0xFFFF9C00  }
.LBB2_6:
0x86: {  	s21 =	smul.u32 $0x640, s19;
	_ =	sdelay $0x1  }
0x87: {  	s21 =	sshra.s32 s21, $0x2  }
.Ltmp3:
0x88: {  	s21 =	sadd.s32 $0x190, s21;
	(pc) =	sbr.rel @p0 .LBB2_8-.Ltmp3, $4  }
0x89: {  	[tilespmem:s10], [sflag:$0x1] =	stream.indirect.gather [hbm4b:s2+s9], $0x80, s21, s9, $0xb8;
	[tilespmem:$0x1F400] =	vst v63  }
0x8a: {  	_ =	swait.ge [sflag:s14], $0x6400  }
0x8b: {  	[sflag:s14] =	ssyncset.done $0x0  }
0x8c: {  	[sflag:s14] =	ssyncadd.s32 $0xFFFF9C00  }
.LBB2_7:
0x8d: {  	_ =	swait.ge [sflag:s15], $0x6400  }
0x8e: {  	[sflag:s15] =	ssyncset.done $0x0  }
0x8f: {  	[sflag:s15] =	ssyncadd.s32 $0xFFFF9C00  }
.LBB2_8:
0x90: {  	s21 =	simm.s32 $0x0  }
0x91: {  	v0 =	vld [tilespmem:s21+$0xCBB0]  }
0x92: {  	v1 =	vld [tilespmem:s21+$0xC800]  }
0x93: {  	v2 =	vld [tilespmem:s21+$0xC810]  }
0x94: {  	v3 =	vld [tilespmem:s21+$0xC820]  }
0x95: {  	v4 =	vld [tilespmem:s21+$0xC830]  }
0x96: {  	v5 =	vld [tilespmem:s21+$0xC880];
	[tilespmem:s21+$0x193B0] =	vst v0  }
0x97: {  	[tilespmem:s21+$0x19000] =	vst v1;
	v0 =	vld [tilespmem:s21+$0xC890]  }
0x98: {  	[tilespmem:s21+$0x19010] =	vst v2;
	v1 =	vld [tilespmem:s21+$0xC8A0]  }
0x99: {  	[tilespmem:s21+$0x19020] =	vst v3;
	v2 =	vld [tilespmem:s21+$0xC8B0]  }
0x9a: {  	[tilespmem:s21+$0x19030] =	vst v4;
	v3 =	vld [tilespmem:s21+$0xC900]  }
0x9b: {  	[tilespmem:s21+$0x19080] =	vst v5;
	v4 =	vld [tilespmem:s21+$0xC910]  }
0x9c: {  	v5 =	vld [tilespmem:s21+$0xCB10];
	[tilespmem:s21+$0x19090] =	vst v0  }
0x9d: {  	v0 =	vld [tilespmem:s21+$0xC920];
	[tilespmem:s21+$0x190A0] =	vst v1  }
0x9e: {  	v1 =	vld [tilespmem:s21+$0xC930];
	[tilespmem:s21+$0x190B0] =	vst v2  }
0x9f: {  	v2 =	vld [tilespmem:s21+$0xC980];
	[tilespmem:s21+$0x19100] =	vst v3  }
0xa0: {  	v3 =	vld [tilespmem:s21+$0xC990];
	[tilespmem:s21+$0x19110] =	vst v4  }
0xa1: {  	v4 =	vld [tilespmem:s21+$0xC9A0];
	[tilespmem:s21+$0x19310] =	vst v5  }
0xa2: {  	[tilespmem:s21+$0x19120] =	vst v0;
	v0 =	vld [tilespmem:s21+$0xC9B0]  }
0xa3: {  	[tilespmem:s21+$0x19130] =	vst v1;
	v1 =	vld [tilespmem:s21+$0xCA00]  }
0xa4: {  	[tilespmem:s21+$0x19180] =	vst v2;
	v2 =	vld [tilespmem:s21+$0xCA10]  }
0xa5: {  	[tilespmem:s21+$0x19190] =	vst v3;
	v3 =	vld [tilespmem:s21+$0xCA20]  }
0xa6: {  	[tilespmem:s21+$0x191A0] =	vst v4;
	v4 =	vld [tilespmem:s21+$0xCA30]  }
0xa7: {  	[tilespmem:s21+$0x191B0] =	vst v0;
	v0 =	vld [tilespmem:s21+$0xCA80]  }
0xa8: {  	[tilespmem:s21+$0x19200] =	vst v1;
	v1 =	vld [tilespmem:s21+$0xCA90]  }
0xa9: {  	[tilespmem:s21+$0x19210] =	vst v2;
	v2 =	vld [tilespmem:s21+$0xCAA0]  }
0xaa: {  	[tilespmem:s21+$0x19220] =	vst v3;
	v3 =	vld [tilespmem:s21+$0xCAB0]  }
0xab: {  	[tilespmem:s21+$0x19230] =	vst v4;
	v4 =	vld [tilespmem:s21+$0xCB00]  }
0xac: {  	[tilespmem:s21+$0x19280] =	vst v0;
	v0 =	vld [tilespmem:s21+$0xCB20]  }
0xad: {  	[tilespmem:s21+$0x19290] =	vst v1;
	v1 =	vld [tilespmem:s21+$0xCB30]  }
0xae: {  	[tilespmem:s21+$0x192A0] =	vst v2;
	v2 =	vld [tilespmem:s21+$0xCB80]  }
0xaf: {  	[tilespmem:s21+$0x192B0] =	vst v3;
	v3 =	vld [tilespmem:s21+$0xCB90]  }
0xb0: {  	s23 =	simm.s32 $0x400;
	s22 =	simm.s32 $0x2000;
	[tilespmem:s21+$0x19300] =	vst v4;
	v4 =	vld [tilespmem:s21+$0xCBA0]  }
.LBB2_9:
0xb1: {  	p0 =	sne.s32 s22, $0x18000;
	v5 =	vld [tilespmem:s23+$0xCBB0];
	[tilespmem:s21+$0x19320] =	vst v0  }
0xb2: {  	v0 =	vld [tilespmem:s23+$0xC800];
	[tilespmem:s21+$0x19330] =	vst v1  }
0xb3: {  	v1 =	vld [tilespmem:s23+$0xC810];
	[tilespmem:s21+$0x19380] =	vst v2  }
0xb4: {  	v2 =	vld [tilespmem:s23+$0xC820];
	[tilespmem:s21+$0x19390] =	vst v3  }
0xb5: {  	v3 =	vld [tilespmem:s23+$0xC830];
	[tilespmem:s21+$0x193A0] =	vst v4;
	s21 =	smov.u32 s23  }
0xb6: {  	v4 =	vld [tilespmem:s21+$0xC880];
	[tilespmem:s21+$0x193B0] =	vst v5  }
0xb7: {  	[tilespmem:s21+$0x19000] =	vst v0;
	v0 =	vld [tilespmem:s21+$0xC890]  }
0xb8: {  	[tilespmem:s21+$0x19010] =	vst v1;
	v1 =	vld [tilespmem:s21+$0xC8A0]  }
0xb9: {  	[tilespmem:s21+$0x19020] =	vst v2;
	v2 =	vld [tilespmem:s21+$0xC8B0]  }
0xba: {  	[tilespmem:s21+$0x19030] =	vst v3;
	v3 =	vld [tilespmem:s21+$0xC900]  }
0xbb: {  	[tilespmem:s21+$0x19080] =	vst v4;
	v4 =	vld [tilespmem:s21+$0xC910]  }
0xbc: {  	[tilespmem:s21+$0x19090] =	vst v0;
	v0 =	vld [tilespmem:s21+$0xC920]  }
0xbd: {  	[tilespmem:s21+$0x190A0] =	vst v1;
	v1 =	vld [tilespmem:s21+$0xC930]  }
0xbe: {  	[tilespmem:s21+$0x190B0] =	vst v2;
	v2 =	vld [tilespmem:s21+$0xC980]  }
0xbf: {  	[tilespmem:s21+$0x19100] =	vst v3;
	v3 =	vld [tilespmem:s21+$0xC990]  }
0xc0: {  	[tilespmem:s21+$0x19110] =	vst v4;
	v4 =	vld [tilespmem:s21+$0xC9A0]  }
0xc1: {  	[tilespmem:s21+$0x19120] =	vst v0;
	v0 =	vld [tilespmem:s21+$0xC9B0]  }
0xc2: {  	[tilespmem:s21+$0x19130] =	vst v1;
	v1 =	vld [tilespmem:s21+$0xCA00]  }
0xc3: {  	[tilespmem:s21+$0x19180] =	vst v2;
	v2 =	vld [tilespmem:s21+$0xCA10]  }
0xc4: {  	[tilespmem:s21+$0x19190] =	vst v3;
	v3 =	vld [tilespmem:s21+$0xCA20]  }
0xc5: {  	[tilespmem:s21+$0x191A0] =	vst v4;
	v4 =	vld [tilespmem:s21+$0xCA30]  }
0xc6: {  	[tilespmem:s21+$0x191B0] =	vst v0;
	v0 =	vld [tilespmem:s21+$0xCA80]  }
0xc7: {  	[tilespmem:s21+$0x19200] =	vst v1;
	v1 =	vld [tilespmem:s21+$0xCA90]  }
0xc8: {  	[tilespmem:s21+$0x19210] =	vst v2;
	v2 =	vld [tilespmem:s21+$0xCAA0]  }
0xc9: {  	[tilespmem:s21+$0x19220] =	vst v3;
	v3 =	vld [tilespmem:s21+$0xCAB0]  }
0xca: {  	[tilespmem:s21+$0x19230] =	vst v4;
	v4 =	vld [tilespmem:s21+$0xCB00]  }
0xcb: {  	[tilespmem:s21+$0x19280] =	vst v0;
	v5 =	vld [tilespmem:s21+$0xCB10]  }
.Ltmp4:
0xcc: {  	[tilespmem:s21+$0x19290] =	vst v1;
	v0 =	vld [tilespmem:s21+$0xCB20];
	(pc) =	sbr.rel @p0 .LBB2_9-.Ltmp4, $4  }
0xcd: {  	[tilespmem:s21+$0x192A0] =	vst v2;
	v1 =	vld [tilespmem:s21+$0xCB30]  }
0xce: {  	[tilespmem:s21+$0x192B0] =	vst v3;
	v2 =	vld [tilespmem:s21+$0xCB80]  }
0xcf: {  	[tilespmem:s21+$0x19300] =	vst v4;
	v3 =	vld [tilespmem:s21+$0xCB90]  }
0xd0: {  	s23 =	sshra.s32 s22, $0x2;
	s22 =	sadd.s32 $0x1000, s22;
	[tilespmem:s21+$0x19310] =	vst v5;
	v4 =	vld [tilespmem:s21+$0xCBA0]  }
0xd1: {  	v5 =	vld [tilespmem:s23+$0xCBB0];
	[tilespmem:s21+$0x19320] =	vst v0  }
0xd2: {  	v0 =	vld [tilespmem:s23+$0xC800];
	[tilespmem:s21+$0x19330] =	vst v1  }
0xd3: {  	v1 =	vld [tilespmem:s23+$0xC810];
	[tilespmem:s21+$0x19380] =	vst v2  }
0xd4: {  	v2 =	vld [tilespmem:s23+$0xC820];
	[tilespmem:s21+$0x19390] =	vst v3  }
0xd5: {  	v3 =	vld [tilespmem:s23+$0xC830];
	[tilespmem:s21+$0x193A0] =	vst v4  }
0xd6: {  	v4 =	vld [tilespmem:s23+$0xC880];
	[tilespmem:s23+$0x193B0] =	vst v5  }
0xd7: {  	v38 =	vld [tilespmem:s23+$0xC890];
	[tilespmem:s23+$0x19000] =	vst v0  }
0xd8: {  	v39 =	vld [tilespmem:s23+$0xC8A0];
	[tilespmem:s23+$0x19010] =	vst v1  }
0xd9: {  	v40 =	vld [tilespmem:s23+$0xC8B0];
	[tilespmem:s23+$0x19020] =	vst v2  }
0xda: {  	v41 =	vld [tilespmem:s23+$0xC900];
	[tilespmem:s23+$0x19030] =	vst v3  }
0xdb: {  	v42 =	vld [tilespmem:s23+$0xC910];
	[tilespmem:s23+$0x19080] =	vst v4  }
0xdc: {  	v43 =	vld [tilespmem:s23+$0xC920];
	[tilespmem:s23+$0x19090] =	vst v38  }
0xdd: {  	v44 =	vld [tilespmem:s23+$0xC930];
	[tilespmem:s23+$0x190A0] =	vst v39  }
0xde: {  	v45 =	vld [tilespmem:s23+$0xC980];
	[tilespmem:s23+$0x190B0] =	vst v40  }
0xdf: {  	v46 =	vld [tilespmem:s23+$0xC990];
	[tilespmem:s23+$0x19100] =	vst v41  }
0xe0: {  	v47 =	vld [tilespmem:s23+$0xC9A0];
	[tilespmem:s23+$0x19110] =	vst v42  }
0xe1: {  	v48 =	vld [tilespmem:s23+$0xC9B0];
	[tilespmem:s23+$0x19120] =	vst v43  }
0xe2: {  	v49 =	vld [tilespmem:s23+$0xCA00];
	[tilespmem:s23+$0x19130] =	vst v44  }
0xe3: {  	v50 =	vld [tilespmem:s23+$0xCA10];
	[tilespmem:s23+$0x19180] =	vst v45  }
0xe4: {  	v51 =	vld [tilespmem:s23+$0xCA20];
	[tilespmem:s23+$0x19190] =	vst v46  }
0xe5: {  	v52 =	vld [tilespmem:s23+$0xCA30];
	[tilespmem:s23+$0x191A0] =	vst v47  }
0xe6: {  	v53 =	vld [tilespmem:s23+$0xCA80];
	[tilespmem:s23+$0x191B0] =	vst v48  }
0xe7: {  	v54 =	vld [tilespmem:s23+$0xCA90];
	[tilespmem:s23+$0x19200] =	vst v49  }
0xe8: {  	v55 =	vld [tilespmem:s23+$0xCAA0];
	[tilespmem:s23+$0x19210] =	vst v50  }
0xe9: {  	v56 =	vld [tilespmem:s23+$0xCAB0];
	[tilespmem:s23+$0x19220] =	vst v51  }
0xea: {  	v57 =	vld [tilespmem:s23+$0xCB00];
	[tilespmem:s23+$0x19230] =	vst v52  }
0xeb: {  	v58 =	vld [tilespmem:s23+$0xCB10];
	[tilespmem:s23+$0x19280] =	vst v53  }
0xec: {  	v59 =	vld [tilespmem:s23+$0xCB20];
	[tilespmem:s23+$0x19290] =	vst v54  }
0xed: {  	v60 =	vld [tilespmem:s23+$0xCB30];
	[tilespmem:s23+$0x192A0] =	vst v55  }
0xee: {  	v61 =	vld [tilespmem:s23+$0xCB80];
	[tilespmem:s23+$0x192B0] =	vst v56  }
0xef: {  	v62 =	vld [tilespmem:s23+$0xCB90];
	[tilespmem:s23+$0x19300] =	vst v57  }
0xf0: {  	s19 =	sadd.s32 $0x1, s19;
	v63 =	vld [tilespmem:s23+$0xCBA0];
	[tilespmem:s23+$0x19310] =	vst v58  }
0xf1: {  	p0 =	sne.s32 s19, $0x40;
	[tilespmem:s23+$0x19320] =	vst v59  }
.Ltmp5:
0xf2: {  	s20 =	sadd.s32 s5, s20;
	[tilespmem:s23+$0x19330] =	vst v60;
	(pc) =	sbr.rel @p0 .LBB2_2-.Ltmp5, $4  }
0xf3: {  	s20 =	smul.u32 $0xC80, s20;
	[tilespmem:s23+$0x19380] =	vst v61  }
0xf4: {  	[tilespmem:s23+$0x19390] =	vst v62  }
0xf5: {  	s20 =	sadd.s32 s4, s20;
	[tilespmem:s23+$0x193A0] =	vst v63  }
0xf6: {  	[hbm4b:s20+s3] =	stream.linear.scatter [tilespmem:s16], [sflag:$0x4], $0x6400, $0x38;
	[tilespmem:$0x1F400] =	vst v63  }
0xf7: {  	s18 =	sadd.s32 $0x1, s18  }
0xf8: {  	_ =	swait.ge [sflag:s17], $0x6400;
	p0 =	sne.s32 s18, s7  }
.Ltmp6:
0xf9: {  	[sflag:s17] =	ssyncset.done $0x0;
	(pc) =	sbr.rel @p0 .LBB2_1-.Ltmp6, $4  }
0xfa: {  	[sflag:s17] =	ssyncadd.s32 $0xFFFF9C00  }
0xfb: {  	_ =	swait.ge [sflag:s15], $0x6400  }
0xfc: {  	[sflag:s15] =	ssyncset.done $0x0  }
0xfd: {  	[sflag:s15] =	ssyncadd.s32 $0xFFFF9C00  }
0xfe: {  	_ =	sfence.sel $0x180000  }
0xff: {  	[bflag:$0x0] =	sbarrier.arrive $0xFFFF  }
0x100: {  	p0 =	sne.s32 s0, $0x0;
	_ =	strace $0x90000047  }
0x101: {  	s0 =	sadd.s32 @!p0 $0x100000, s1;
	[bflag:$0x2] =	sbarrier.arrive $0xFFFF  }
0x102: {  	[sflag:s0] =	ssyncadd.tile.s32 @!p0 $0x1;
	_ =	shalt  }
.Lfunc_end2:
_tile_overlayer_lowered:
.L_overlay_start_2:
0x103: {  	(tag) =	ssettag $0x2  }
0x104: {  	s0 =	rddreg [dreg:$0x0];
	s2 =	stileid.u32  }
0x105: {  	s1 =	rddreg [dreg:$0x1];
	p0 =	sne.s32 s2, $0x0  }
0x106: {  	s3 =	rddreg [dreg:$0x2];
	[bflag:$0x3] =	sbarrier.arrive $0xFFFF;
	s2 =	simm.s32 @!p0 $0x1C05  }
0x107: {  	[timem:s3], [sflag:s2] =	dma.local @!p0 [hbm:s0], s1  }
0x108: {  	s0 =	simm.s32 @!p0 $0x5  }
0x109: {  	_ =	swait.ge @!p0 [sflag:s0], s1  }
0x10a: {  	s1 =	ssub.s32 @!p0 $0x0, s1;
	[sflag:s0] =	ssyncset.done @!p0 $0x0  }
0x10b: {  	[sflag:s0] =	ssyncadd.s32 @!p0 s1  }
0x10c: {  	[bflag:$0x3] =	sbarrier.arrive $0xFFFF  }
0x10d: {  	_ =	shalt  }

</sc_bundles>
